<compile_context>
chip_gen: v7x
topology: tpu7x:2x2x1
jax: 0.10.2.dev20260603
libtpu: 0.0.44.dev20260713+nightly
codegen_flags: <defaults>
</compile_context>

<pallas_src>
import dataclasses
import functools

import jax
import jax.numpy as jnp
from jax import lax
from jax.experimental import pallas as pl
from jax.experimental.pallas import tpu as pltpu
from jax.experimental.pallas import tpu_sc as plsc

N_NODES = 10000
D = 128
E = 320000
N_OUT = 10000

NC = 2
NS = 16
NW = NC * NS
SPW = 320
PAD_OUT = NW * SPW
CH = 128
TRASH = SPW
ACC_ROWS = SPW + 8
RB = 64


def _pool_kernel(x_hbm, idx_hbm, seg_hbm, bnd_hbm, out_hbm,
                 acc_sh, work, cnt, zrow, rows,
                 idx_v, seg_v, loc_v, bnd_v):
    sid = lax.axis_index("subcore")
    wid = lax.axis_index("core") * NS + sid
    seg_lo = wid * SPW
    slab = sid * ACC_ROWS

    zeros16 = jnp.zeros((16,), jnp.float32)
    ones16 = jnp.full((16,), 1.0, jnp.float32)
    lane = lax.iota(jnp.int32, 16)

    @pl.loop(0, 8)
    def _(i):
        for j in range(D // 16):
            zrow[i, pl.ds(j * 16, 16)] = zeros16

    @pl.loop(0, ACC_ROWS // 8)
    def _(i):
        pltpu.sync_copy(zrow, acc_sh.at[pl.ds(slab + i * 8, 8)])

    @pl.loop(0, ACC_ROWS)
    def _(i):
        cnt[pl.ds(i * 16, 16)] = zeros16

    pltpu.sync_copy(bnd_hbm, bnd_v)
    widv = jnp.full((16,), wid, jnp.int32)
    e_lo = jnp.max(plsc.load_gather(bnd_v, [widv]))
    e_hi = jnp.max(plsc.load_gather(bnd_v, [widv + 1]))
    c_lo = e_lo // CH
    c_hi = (e_hi + CH - 1) // CH

    def chunk_body(c, carry):
        base = pl.multiple_of(c * CH, CH)
        pltpu.sync_copy(idx_hbm.at[pl.ds(base, CH)], idx_v)
        pltpu.sync_copy(seg_hbm.at[pl.ds(base, CH)], seg_v)
        for j in range(CH // 16):
            s = seg_v[pl.ds(j * 16, 16)]
            sl = s - seg_lo
            ok = (sl >= 0) & (sl < SPW)
            sl = jnp.where(ok, sl, TRASH)
            loc_v[pl.ds(j * 16, 16)] = slab + sl
            plsc.addupdate_scatter(cnt, [sl * 16 + lane], ones16)
        pltpu.sync_copy(x_hbm.at[idx_v], rows)
        pltpu.sync_copy(rows, acc_sh.at[loc_v], add=True)
        return carry

    lax.fori_loop(c_lo, c_hi, chunk_body, 0)

    @pl.loop(0, SPW // RB)
    def _(t):
        pltpu.sync_copy(acc_sh.at[pl.ds(slab + t * RB, RB)], work)

        @pl.loop(0, RB)
        def _(i):
            cvec = cnt[pl.ds((t * RB + i) * 16, 16)]
            total = jnp.full((16,), jnp.sum(cvec), jnp.float32)
            recip = 1.0 / jnp.maximum(total, 1.0)
            for j in range(D // 16):
                work[i, pl.ds(j * 16, 16)] = work[i, pl.ds(j * 16, 16)] * recip

        pltpu.sync_copy(work, out_hbm.at[pl.ds(seg_lo + t * RB, RB)])


@jax.jit
def kernel(x, idxn, segment_ids):
    seg_bnds = jnp.minimum(
        jnp.arange(NW + 1, dtype=jnp.int32) * SPW, N_OUT)
    ebounds = jnp.searchsorted(segment_ids, seg_bnds, side="left").astype(jnp.int32)
    ebounds = jnp.concatenate(
        [ebounds, jnp.zeros((40 - (NW + 1),), jnp.int32)])

    mesh = plsc.VectorSubcoreMesh(
        core_axis_name="core", subcore_axis_name="subcore")
    cp = pltpu.CompilerParams()
    if "needs_layout_passes" in pltpu.CompilerParams.__dataclass_fields__:
        cp = dataclasses.replace(cp, needs_layout_passes=False)
    run = pl.kernel(
        _pool_kernel,
        compiler_params=cp,
        out_type=jax.ShapeDtypeStruct((PAD_OUT, D), jnp.float32),
        mesh=mesh,
        scratch_types=[
            pltpu.VMEM_SHARED((NS * ACC_ROWS, D), jnp.float32),
            pltpu.VMEM((RB, D), jnp.float32),
            pltpu.VMEM((ACC_ROWS * 16,), jnp.float32),
            pltpu.VMEM((8, D), jnp.float32),
            pltpu.VMEM((CH, D), jnp.float32),
            pltpu.VMEM((CH,), jnp.int32),
            pltpu.VMEM((CH,), jnp.int32),
            pltpu.VMEM((CH,), jnp.int32),
            pltpu.VMEM((40,), jnp.int32),
        ],
    )
    out_pad = run(x, idxn, segment_ids, ebounds)
    return out_pad[:N_OUT]

# --- scband reference (transcript-rebuilt; emitter-appended) ---
"""Pipeline reference for scband-graph-pool-module-77678778515952 (READ-ONLY COPY).

The authoritative reference and input builder live on the scoring server;
editing this copy changes nothing except your own understanding.
"""

import jax, jax.numpy as jnp
import numpy as np

N_NODES = 10000
D = 128
E = 320000
N_OUT = 10000


def setup_inputs(seed: int = 0) -> dict:
    key = jax.random.key(seed)
    k1, k2, k3 = jax.random.split(key, 3)
    x = jax.random.normal(k1, (N_NODES, D), dtype=jnp.float32)
    idxn = jax.random.randint(k2, (E,), 0, N_NODES, dtype=jnp.int32)
    segment_ids = jnp.sort(jax.random.randint(k3, (E,), 0, N_OUT, dtype=jnp.int32))
    return {"x": x, "idxn": idxn, "segment_ids": segment_ids}


def reference(x, idxn, segment_ids):
    # GraphPoolFunction with AGGR_MEAN: for each output node i with degree degs[i],
    # gather input rows via idxn (edges laid out consecutively per output node)
    # and take the mean; degree-0 nodes produce zeros.
    # degs is represented equivalently by sorted segment_ids (degs[i] = count of i).
    sel = jnp.take(x, idxn, axis=0)  # index_select over neighbor list
    sums = jax.ops.segment_sum(sel, segment_ids, num_segments=N_OUT)
    counts = jax.ops.segment_sum(
        jnp.ones((segment_ids.shape[0],), dtype=x.dtype), segment_ids, num_segments=N_OUT
    )
    out = sums / jnp.maximum(counts, 1.0)[:, None]  # mean; zero where count==0
    return out

if __name__ == "__main__":
    import jax
    _d = setup_inputs()
    print(jax.jit(kernel)(*tuple(_d.values())))

</pallas_src>

<mosaic_0001>
#map = affine_map<(d0, d1) -> (0, 0)>
#map1 = affine_map<(d0, d1) -> (0)>
module attributes {stable_mosaic.version = 14 : i64} {
  func.func @_pool_kernel(%arg0: i32, %arg1: i32, %arg2: memref<10000x128xf32, #tpu.memory_space<hbm>>, %arg3: memref<320000xi32, #tpu.memory_space<hbm>>, %arg4: memref<320000xi32, #tpu.memory_space<hbm>>, %arg5: memref<40xi32, #tpu.memory_space<hbm>>, %arg6: memref<10240x128xf32, #tpu.memory_space<hbm>>, %arg7: memref<5248x128xf32, #tpu.memory_space<vmem_shared>>, %arg8: memref<64x128xf32, #tpu.memory_space<vmem>>, %arg9: memref<5248xf32, #tpu.memory_space<vmem>>, %arg10: memref<8x128xf32, #tpu.memory_space<vmem>>, %arg11: memref<128x128xf32, #tpu.memory_space<vmem>>, %arg12: memref<128xi32, #tpu.memory_space<vmem>>, %arg13: memref<128xi32, #tpu.memory_space<vmem>>, %arg14: memref<128xi32, #tpu.memory_space<vmem>>, %arg15: memref<40xi32, #tpu.memory_space<vmem>>) attributes {dimension_semantics = [#tpu.dimension_semantics<core_parallel>, #tpu.dimension_semantics<subcore_parallel>], iteration_bounds = array<i64: 2, 16>, scalar_prefetch = 0 : i64, scratch_operands = 9 : i64, tpu.core_type = #tpu.core_type<sc_vector_subcore>, window_params = [{transform_indices = #map}, {transform_indices = #map1}, {transform_indices = #map1}, {transform_indices = #map1}, {transform_indices = #map}]} {
    %mul3A = arith.constant 16 : i32
    %mul3A_0 = arith.muli %arg0, %mul3A : i32
    %add3A = arith.addi %mul3A_0, %arg1 : i32
    %mul3A_1 = arith.constant 320 : i32
    %mul3A_2 = arith.muli %add3A, %mul3A_1 : i32
    %mul3A_3 = arith.constant 328 : i32
    %mul3A_4 = arith.muli %arg1, %mul3A_3 : i32
    %broadcast_in_dim3A = arith.constant 0.000000e+00 : f32
    %broadcast_in_dim3A_5 = vector.broadcast %broadcast_in_dim3A : f32 to vector<16xf32>
    %broadcast_in_dim3A_6 = arith.constant 1.000000e+00 : f32
    %broadcast_in_dim3A_7 = vector.broadcast %broadcast_in_dim3A_6 : f32 to vector<16xf32>
    %iota3A = tpu.iota {dimensions = array<i32: 0>} : vector<16xi32>
    %scan3A = arith.constant 0 : i32
    %scan3A_8 = arith.constant 8 : i32
    %scan3A_9 = arith.addi %scan3A, %scan3A_8 : i32
    %scan3A_10 = arith.constant 1 : i32
    scf.for %scan3A_99 = %scan3A to %scan3A_9 step %scan3A_10  : i32 {
      %mul3A_100 = arith.constant 1 : i32
      %mul3A_101 = arith.muli %scan3A_99, %mul3A_100 : i32
      %add3A_102 = arith.constant 0 : i32
      %add3A_103 = arith.addi %add3A_102, %mul3A_101 : i32
      %swap3A = arith.index_cast %add3A_103 : i32 to index
      %swap3A_104 = arith.constant 0 : index
      %swap3A_105 = tpu.vector_load %arg10[%swap3A, %swap3A_104] {strides = array<i32>} : memref<8x128xf32, #tpu.memory_space<vmem>>, vector<16xf32>,
      tpu.vector_store %arg10[%swap3A, %swap3A_104], %broadcast_in_dim3A_5 {strides = array<i32>} : memref<8x128xf32, #tpu.memory_space<vmem>>, vector<16xf32>,
      %swap3A_106 = arith.index_cast %add3A_103 : i32 to index
      %swap3A_107 = arith.constant 16 : index
      %swap3A_108 = tpu.vector_load %arg10[%swap3A_106, %swap3A_107] {strides = array<i32>} : memref<8x128xf32, #tpu.memory_space<vmem>>, vector<16xf32>,
      tpu.vector_store %arg10[%swap3A_106, %swap3A_107], %broadcast_in_dim3A_5 {strides = array<i32>} : memref<8x128xf32, #tpu.memory_space<vmem>>, vector<16xf32>,
      %swap3A_109 = arith.index_cast %add3A_103 : i32 to index
      %swap3A_110 = arith.constant 32 : index
      %swap3A_111 = tpu.vector_load %arg10[%swap3A_109, %swap3A_110] {strides = array<i32>} : memref<8x128xf32, #tpu.memory_space<vmem>>, vector<16xf32>,
      tpu.vector_store %arg10[%swap3A_109, %swap3A_110], %broadcast_in_dim3A_5 {strides = array<i32>} : memref<8x128xf32, #tpu.memory_space<vmem>>, vector<16xf32>,
      %swap3A_112 = arith.index_cast %add3A_103 : i32 to index
      %swap3A_113 = arith.constant 48 : index
      %swap3A_114 = tpu.vector_load %arg10[%swap3A_112, %swap3A_113] {strides = array<i32>} : memref<8x128xf32, #tpu.memory_space<vmem>>, vector<16xf32>,
      tpu.vector_store %arg10[%swap3A_112, %swap3A_113], %broadcast_in_dim3A_5 {strides = array<i32>} : memref<8x128xf32, #tpu.memory_space<vmem>>, vector<16xf32>,
      %swap3A_115 = arith.index_cast %add3A_103 : i32 to index
      %swap3A_116 = arith.constant 64 : index
      %swap3A_117 = tpu.vector_load %arg10[%swap3A_115, %swap3A_116] {strides = array<i32>} : memref<8x128xf32, #tpu.memory_space<vmem>>, vector<16xf32>,
      tpu.vector_store %arg10[%swap3A_115, %swap3A_116], %broadcast_in_dim3A_5 {strides = array<i32>} : memref<8x128xf32, #tpu.memory_space<vmem>>, vector<16xf32>,
      %swap3A_118 = arith.index_cast %add3A_103 : i32 to index
      %swap3A_119 = arith.constant 80 : index
      %swap3A_120 = tpu.vector_load %arg10[%swap3A_118, %swap3A_119] {strides = array<i32>} : memref<8x128xf32, #tpu.memory_space<vmem>>, vector<16xf32>,
      tpu.vector_store %arg10[%swap3A_118, %swap3A_119], %broadcast_in_dim3A_5 {strides = array<i32>} : memref<8x128xf32, #tpu.memory_space<vmem>>, vector<16xf32>,
      %swap3A_121 = arith.index_cast %add3A_103 : i32 to index
      %swap3A_122 = arith.constant 96 : index
      %swap3A_123 = tpu.vector_load %arg10[%swap3A_121, %swap3A_122] {strides = array<i32>} : memref<8x128xf32, #tpu.memory_space<vmem>>, vector<16xf32>,
      tpu.vector_store %arg10[%swap3A_121, %swap3A_122], %broadcast_in_dim3A_5 {strides = array<i32>} : memref<8x128xf32, #tpu.memory_space<vmem>>, vector<16xf32>,
      %swap3A_124 = arith.index_cast %add3A_103 : i32 to index
      %swap3A_125 = arith.constant 112 : index
      %swap3A_126 = tpu.vector_load %arg10[%swap3A_124, %swap3A_125] {strides = array<i32>} : memref<8x128xf32, #tpu.memory_space<vmem>>, vector<16xf32>,
      tpu.vector_store %arg10[%swap3A_124, %swap3A_125], %broadcast_in_dim3A_5 {strides = array<i32>} : memref<8x128xf32, #tpu.memory_space<vmem>>, vector<16xf32>,
    }
    %scan3A_11 = arith.constant 8 : i32
    %scan3A_12 = arith.constant 0 : i32
    %scan3A_13 = arith.constant 41 : i32
    %scan3A_14 = arith.addi %scan3A_12, %scan3A_13 : i32
    %scan3A_15 = arith.constant 1 : i32
    scf.for %scan3A_99 = %scan3A_12 to %scan3A_14 step %scan3A_15  : i32 {
      %mul3A_100 = arith.constant 1 : i32
      %mul3A_101 = arith.muli %scan3A_99, %mul3A_100 : i32
      %add3A_102 = arith.constant 0 : i32
      %add3A_103 = arith.addi %add3A_102, %mul3A_101 : i32
      %mul3A_104 = arith.constant 8 : i32
      %mul3A_105 = arith.muli %add3A_103, %mul3A_104 : i32
      %add3A_106 = arith.addi %mul3A_4, %mul3A_105 : i32
      "tpu.region"() ({
        %run_scoped3A = tpu.sem_alloc : memref<!tpu.dma_semaphore, #tpu.memory_space<semaphore_mem>>
        %dma_start3A = arith.constant 0 : i32
        %dma_start3A_107 = tpu.memref_slice %arg7[%add3A_106, %dma_start3A] : memref<5248x128xf32, #tpu.memory_space<vmem_shared>> -> memref<8x128xf32, #tpu.memory_space<vmem_shared>>
        %dma_start3A_108 = arith.constant 0 : i32
        %dma_start3A_109 = tpu.memref_slice %arg7[%add3A_106, %dma_start3A_108] : memref<5248x128xf32, #tpu.memory_space<vmem_shared>> -> memref<8x128xf32, #tpu.memory_space<vmem_shared>>
        tpu.enqueue_dma source(%arg10 : memref<8x128xf32, #tpu.memory_space<vmem>>) target(%dma_start3A_109 : memref<8x128xf32, #tpu.memory_space<vmem_shared>>) target_semaphore(%run_scoped3A : memref<!tpu.dma_semaphore, #tpu.memory_space<semaphore_mem>>)
        %dma_wait3A = arith.constant 0 : i32
        %dma_wait3A_110 = tpu.memref_slice %arg7[%add3A_106, %dma_wait3A] : memref<5248x128xf32, #tpu.memory_space<vmem_shared>> -> memref<8x128xf32, #tpu.memory_space<vmem_shared>>
        %dma_wait3A_111 = arith.constant 0 : i32
        %dma_wait3A_112 = tpu.memref_slice %arg7[%add3A_106, %dma_wait3A_111] : memref<5248x128xf32, #tpu.memory_space<vmem_shared>> -> memref<8x128xf32, #tpu.memory_space<vmem_shared>>
        tpu.wait_dma2 semaphore(%run_scoped3A : memref<!tpu.dma_semaphore, #tpu.memory_space<semaphore_mem>>) src(%arg10 : memref<8x128xf32, #tpu.memory_space<vmem>>) dst(%dma_wait3A_112 : memref<8x128xf32, #tpu.memory_space<vmem_shared>>)
        tpu.yield
      }) : () -> ()
    }
    %scan3A_16 = arith.constant 41 : i32
    %scan3A_17 = arith.constant 0 : i32
    %scan3A_18 = arith.constant 328 : i32
    %scan3A_19 = arith.addi %scan3A_17, %scan3A_18 : i32
    %scan3A_20 = arith.constant 1 : i32
    scf.for %scan3A_99 = %scan3A_17 to %scan3A_19 step %scan3A_20  : i32 {
      %mul3A_100 = arith.constant 1 : i32
      %mul3A_101 = arith.muli %scan3A_99, %mul3A_100 : i32
      %add3A_102 = arith.constant 0 : i32
      %add3A_103 = arith.addi %add3A_102, %mul3A_101 : i32
      %mul3A_104 = arith.constant 16 : i32
      %mul3A_105 = arith.muli %add3A_103, %mul3A_104 : i32
      %swap3A = arith.index_cast %mul3A_105 : i32 to index
      %swap3A_106 = tpu.vector_load %arg9[%swap3A] {strides = array<i32>} : memref<5248xf32, #tpu.memory_space<vmem>>, vector<16xf32>,
      tpu.vector_store %arg9[%swap3A], %broadcast_in_dim3A_5 {strides = array<i32>} : memref<5248xf32, #tpu.memory_space<vmem>>, vector<16xf32>,
    }
    %scan3A_21 = arith.constant 328 : i32
    "tpu.region"() ({
      %run_scoped3A = tpu.sem_alloc : memref<!tpu.dma_semaphore, #tpu.memory_space<semaphore_mem>>
      tpu.enqueue_dma source(%arg5 : memref<40xi32, #tpu.memory_space<hbm>>) target(%arg15 : memref<40xi32, #tpu.memory_space<vmem>>) target_semaphore(%run_scoped3A : memref<!tpu.dma_semaphore, #tpu.memory_space<semaphore_mem>>)
      tpu.wait_dma2 semaphore(%run_scoped3A : memref<!tpu.dma_semaphore, #tpu.memory_space<semaphore_mem>>) src(%arg5 : memref<40xi32, #tpu.memory_space<hbm>>) dst(%arg15 : memref<40xi32, #tpu.memory_space<vmem>>)
      tpu.yield
    }) : () -> ()
    %broadcast_in_dim3A_22 = vector.broadcast %add3A : i32 to vector<16xi32>
    %gather3A = tpu.vector_load_idx %arg15[%broadcast_in_dim3A_22] : memref<40xi32, #tpu.memory_space<vmem>>[vector<16xi32>], vector<16xi32>,
    %reduce_max3A = arith.constant true
    %reduce_max3A_23 = vector.broadcast %reduce_max3A : i1 to vector<16xi1>
    %reduce_max3A_24 = arith.constant -2147483648 : i32
    %reduce_max3A_25 = vector.broadcast %reduce_max3A_24 : i32 to vector<16xi32>
    %reduce_max3A_26 = arith.xori %gather3A, %reduce_max3A_25 : vector<16xi32>
    %reduce_max3A_27 = tpu.scan <max>, %reduce_max3A_26 masked %reduce_max3A_23 : vector<16xi32>, vector<16xi1> -> vector<16xi32>
    %reduce_max3A_28 = arith.xori %reduce_max3A_27, %reduce_max3A_25 : vector<16xi32>
    %reduce_max3A_29 = vector.extract %reduce_max3A_28[15] : i32 from vector<16xi32>
    %add3A_30 = arith.constant 1 : i32
    %add3A_31 = vector.broadcast %add3A_30 : i32 to vector<16xi32>
    %add3A_32 = arith.addi %broadcast_in_dim3A_22, %add3A_31 : vector<16xi32>
    %gather3A_33 = tpu.vector_load_idx %arg15[%add3A_32] : memref<40xi32, #tpu.memory_space<vmem>>[vector<16xi32>], vector<16xi32>,
    %reduce_max3A_34 = arith.constant true
    %reduce_max3A_35 = vector.broadcast %reduce_max3A_34 : i1 to vector<16xi1>
    %reduce_max3A_36 = arith.constant -2147483648 : i32
    %reduce_max3A_37 = vector.broadcast %reduce_max3A_36 : i32 to vector<16xi32>
    %reduce_max3A_38 = arith.xori %gather3A_33, %reduce_max3A_37 : vector<16xi32>
    %reduce_max3A_39 = tpu.scan <max>, %reduce_max3A_38 masked %reduce_max3A_35 : vector<16xi32>, vector<16xi1> -> vector<16xi32>
    %reduce_max3A_40 = arith.xori %reduce_max3A_39, %reduce_max3A_37 : vector<16xi32>
    %reduce_max3A_41 = vector.extract %reduce_max3A_40[15] : i32 from vector<16xi32>
    %jit3A = arith.constant 128 : i32
    %div3A = arith.divsi %reduce_max3A_29, %jit3A : i32
    %sign3A = arith.constant 0 : i32
    %sign3A_42 = arith.cmpi sgt, %reduce_max3A_29, %sign3A : i32
    %sign3A_43 = arith.extui %sign3A_42 : i1 to i32
    %sign3A_44 = arith.constant 0 : i32
    %sign3A_45 = arith.cmpi slt, %reduce_max3A_29, %sign3A_44 : i32
    %sign3A_46 = arith.extui %sign3A_45 : i1 to i32
    %sign3A_47 = arith.subi %sign3A_43, %sign3A_46 : i32
    %sign3A_48 = arith.constant 0 : i32
    %sign3A_49 = arith.cmpi sgt, %jit3A, %sign3A_48 : i32
    %sign3A_50 = arith.extui %sign3A_49 : i1 to i32
    %sign3A_51 = arith.constant 0 : i32
    %sign3A_52 = arith.cmpi slt, %jit3A, %sign3A_51 : i32
    %sign3A_53 = arith.extui %sign3A_52 : i1 to i32
    %sign3A_54 = arith.subi %sign3A_50, %sign3A_53 : i32
    %ne3A = arith.cmpi ne, %sign3A_47, %sign3A_54 : i32
    %rem3A = arith.remsi %reduce_max3A_29, %jit3A : i32
    %ne3A_55 = arith.constant 0 : i32
    %ne3A_56 = arith.cmpi ne, %rem3A, %ne3A_55 : i32
    %and3A = arith.andi %ne3A, %ne3A_56 : i1
    %sub3A = arith.constant 1 : i32
    %sub3A_57 = arith.subi %div3A, %sub3A : i32
    %select_n3A = arith.select %and3A, %sub3A_57, %div3A : i32
    %add3A_58 = arith.constant 128 : i32
    %add3A_59 = arith.addi %reduce_max3A_41, %add3A_58 : i32
    %sub3A_60 = arith.constant 1 : i32
    %sub3A_61 = arith.subi %add3A_59, %sub3A_60 : i32
    %jit3A_62 = arith.constant 128 : i32
    %div3A_63 = arith.divsi %sub3A_61, %jit3A_62 : i32
    %sign3A_64 = arith.constant 0 : i32
    %sign3A_65 = arith.cmpi sgt, %sub3A_61, %sign3A_64 : i32
    %sign3A_66 = arith.extui %sign3A_65 : i1 to i32
    %sign3A_67 = arith.constant 0 : i32
    %sign3A_68 = arith.cmpi slt, %sub3A_61, %sign3A_67 : i32
    %sign3A_69 = arith.extui %sign3A_68 : i1 to i32
    %sign3A_70 = arith.subi %sign3A_66, %sign3A_69 : i32
    %sign3A_71 = arith.constant 0 : i32
    %sign3A_72 = arith.cmpi sgt, %jit3A_62, %sign3A_71 : i32
    %sign3A_73 = arith.extui %sign3A_72 : i1 to i32
    %sign3A_74 = arith.constant 0 : i32
    %sign3A_75 = arith.cmpi slt, %jit3A_62, %sign3A_74 : i32
    %sign3A_76 = arith.extui %sign3A_75 : i1 to i32
    %sign3A_77 = arith.subi %sign3A_73, %sign3A_76 : i32
    %ne3A_78 = arith.cmpi ne, %sign3A_70, %sign3A_77 : i32
    %rem3A_79 = arith.remsi %sub3A_61, %jit3A_62 : i32
    %ne3A_80 = arith.constant 0 : i32
    %ne3A_81 = arith.cmpi ne, %rem3A_79, %ne3A_80 : i32
    %and3A_82 = arith.andi %ne3A_78, %ne3A_81 : i1
    %sub3A_83 = arith.constant 1 : i32
    %sub3A_84 = arith.subi %div3A_63, %sub3A_83 : i32
    %select_n3A_85 = arith.select %and3A_82, %sub3A_84, %div3A_63 : i32
    %while3A = arith.constant 0 : i32
    %while3A_86 = arith.subi %select_n3A_85, %select_n3A : i32
    %while3A_87 = arith.addi %select_n3A, %while3A_86 : i32
    %while3A_88 = arith.constant 1 : i32
    %while3A_89 = arith.divsi %while3A_86, %while3A_88 : i32
    %while3A_90 = arith.muli %while3A_89, %while3A_88 : i32
    %while3A_91 = arith.addi %select_n3A, %while3A_90 : i32
    %while3A_92 = arith.constant 1 : i32
    scf.for %while3A_99 = %select_n3A to %while3A_91 step %while3A_92  : i32 {
      %mul3A_100 = arith.constant 128 : i32
      %mul3A_101 = arith.muli %while3A_99, %mul3A_100 : i32
      %multiple_of3A = tpu.assume_multiple %mul3A_101, 128 : i32
      "tpu.region"() ({
        %run_scoped3A = tpu.sem_alloc : memref<!tpu.dma_semaphore, #tpu.memory_space<semaphore_mem>>
        %dma_start3A = tpu.memref_slice %arg3[%multiple_of3A] : memref<320000xi32, #tpu.memory_space<hbm>> -> memref<128xi32, #tpu.memory_space<hbm>>
        %dma_start3A_274 = tpu.memref_slice %arg3[%multiple_of3A] : memref<320000xi32, #tpu.memory_space<hbm>> -> memref<128xi32, #tpu.memory_space<hbm>>
        tpu.enqueue_dma source(%dma_start3A_274 : memref<128xi32, #tpu.memory_space<hbm>>) target(%arg12 : memref<128xi32, #tpu.memory_space<vmem>>) target_semaphore(%run_scoped3A : memref<!tpu.dma_semaphore, #tpu.memory_space<semaphore_mem>>)
        %dma_wait3A = tpu.memref_slice %arg3[%multiple_of3A] : memref<320000xi32, #tpu.memory_space<hbm>> -> memref<128xi32, #tpu.memory_space<hbm>>
        %dma_wait3A_275 = tpu.memref_slice %arg3[%multiple_of3A] : memref<320000xi32, #tpu.memory_space<hbm>> -> memref<128xi32, #tpu.memory_space<hbm>>
        tpu.wait_dma2 semaphore(%run_scoped3A : memref<!tpu.dma_semaphore, #tpu.memory_space<semaphore_mem>>) src(%dma_wait3A_275 : memref<128xi32, #tpu.memory_space<hbm>>) dst(%arg12 : memref<128xi32, #tpu.memory_space<vmem>>)
        tpu.yield
      }) : () -> ()
      "tpu.region"() ({
        %run_scoped3A = tpu.sem_alloc : memref<!tpu.dma_semaphore, #tpu.memory_space<semaphore_mem>>
        %dma_start3A = tpu.memref_slice %arg4[%multiple_of3A] : memref<320000xi32, #tpu.memory_space<hbm>> -> memref<128xi32, #tpu.memory_space<hbm>>
        %dma_start3A_274 = tpu.memref_slice %arg4[%multiple_of3A] : memref<320000xi32, #tpu.memory_space<hbm>> -> memref<128xi32, #tpu.memory_space<hbm>>
        tpu.enqueue_dma source(%dma_start3A_274 : memref<128xi32, #tpu.memory_space<hbm>>) target(%arg13 : memref<128xi32, #tpu.memory_space<vmem>>) target_semaphore(%run_scoped3A : memref<!tpu.dma_semaphore, #tpu.memory_space<semaphore_mem>>)
        %dma_wait3A = tpu.memref_slice %arg4[%multiple_of3A] : memref<320000xi32, #tpu.memory_space<hbm>> -> memref<128xi32, #tpu.memory_space<hbm>>
        %dma_wait3A_275 = tpu.memref_slice %arg4[%multiple_of3A] : memref<320000xi32, #tpu.memory_space<hbm>> -> memref<128xi32, #tpu.memory_space<hbm>>
        tpu.wait_dma2 semaphore(%run_scoped3A : memref<!tpu.dma_semaphore, #tpu.memory_space<semaphore_mem>>) src(%dma_wait3A_275 : memref<128xi32, #tpu.memory_space<hbm>>) dst(%arg13 : memref<128xi32, #tpu.memory_space<vmem>>)
        tpu.yield
      }) : () -> ()
      %get3A = arith.constant 0 : index
      %get3A_102 = tpu.vector_load %arg13[%get3A] {strides = array<i32>} : memref<128xi32, #tpu.memory_space<vmem>>, vector<16xi32>,
      %sub3A_103 = vector.broadcast %mul3A_2 : i32 to vector<16xi32>
      %sub3A_104 = arith.subi %get3A_102, %sub3A_103 : vector<16xi32>
      %ge3A = arith.constant 0 : i32
      %ge3A_105 = vector.broadcast %ge3A : i32 to vector<16xi32>
      %ge3A_106 = arith.cmpi sge, %sub3A_104, %ge3A_105 : vector<16xi32>
      %lt3A = arith.constant 320 : i32
      %lt3A_107 = vector.broadcast %lt3A : i32 to vector<16xi32>
      %lt3A_108 = arith.cmpi slt, %sub3A_104, %lt3A_107 : vector<16xi32>
      %and3A_109 = arith.andi %ge3A_106, %lt3A_108 : vector<16xi1>
      %jit3A_110 = arith.constant 320 : i32
      %broadcast_in_dim3A_111 = vector.broadcast %jit3A_110 : i32 to vector<16xi32>
      %select_n3A_112 = arith.select %and3A_109, %sub3A_104, %broadcast_in_dim3A_111 : vector<16xi1>, vector<16xi32>
      %add3A_113 = vector.broadcast %mul3A_4 : i32 to vector<16xi32>
      %add3A_114 = arith.addi %add3A_113, %select_n3A_112 : vector<16xi32>
      %swap3A = arith.constant 0 : index
      %swap3A_115 = tpu.vector_load %arg14[%swap3A] {strides = array<i32>} : memref<128xi32, #tpu.memory_space<vmem>>, vector<16xi32>,
      tpu.vector_store %arg14[%swap3A], %add3A_114 {strides = array<i32>} : memref<128xi32, #tpu.memory_space<vmem>>, vector<16xi32>,
      %mul3A_116 = arith.constant 16 : i32
      %mul3A_117 = vector.broadcast %mul3A_116 : i32 to vector<16xi32>
      %mul3A_118 = arith.muli %select_n3A_112, %mul3A_117 : vector<16xi32>
      %add3A_119 = arith.addi %mul3A_118, %iota3A : vector<16xi32>
      tpu.vector_store_idx %arg9[%add3A_119], %broadcast_in_dim3A_7 {add = true} : memref<5248xf32, #tpu.memory_space<vmem>>[vector<16xi32>], vector<16xf32>,
      %get3A_120 = arith.constant 16 : index
      %get3A_121 = tpu.vector_load %arg13[%get3A_120] {strides = array<i32>} : memref<128xi32, #tpu.memory_space<vmem>>, vector<16xi32>,
      %sub3A_122 = vector.broadcast %mul3A_2 : i32 to vector<16xi32>
      %sub3A_123 = arith.subi %get3A_121, %sub3A_122 : vector<16xi32>
      %ge3A_124 = arith.constant 0 : i32
      %ge3A_125 = vector.broadcast %ge3A_124 : i32 to vector<16xi32>
      %ge3A_126 = arith.cmpi sge, %sub3A_123, %ge3A_125 : vector<16xi32>
      %lt3A_127 = arith.constant 320 : i32
      %lt3A_128 = vector.broadcast %lt3A_127 : i32 to vector<16xi32>
      %lt3A_129 = arith.cmpi slt, %sub3A_123, %lt3A_128 : vector<16xi32>
      %and3A_130 = arith.andi %ge3A_126, %lt3A_129 : vector<16xi1>
      %jit3A_131 = arith.constant 320 : i32
      %broadcast_in_dim3A_132 = vector.broadcast %jit3A_131 : i32 to vector<16xi32>
      %select_n3A_133 = arith.select %and3A_130, %sub3A_123, %broadcast_in_dim3A_132 : vector<16xi1>, vector<16xi32>
      %add3A_134 = vector.broadcast %mul3A_4 : i32 to vector<16xi32>
      %add3A_135 = arith.addi %add3A_134, %select_n3A_133 : vector<16xi32>
      %swap3A_136 = arith.constant 16 : index
      %swap3A_137 = tpu.vector_load %arg14[%swap3A_136] {strides = array<i32>} : memref<128xi32, #tpu.memory_space<vmem>>, vector<16xi32>,
      tpu.vector_store %arg14[%swap3A_136], %add3A_135 {strides = array<i32>} : memref<128xi32, #tpu.memory_space<vmem>>, vector<16xi32>,
      %mul3A_138 = arith.constant 16 : i32
      %mul3A_139 = vector.broadcast %mul3A_138 : i32 to vector<16xi32>
      %mul3A_140 = arith.muli %select_n3A_133, %mul3A_139 : vector<16xi32>
      %add3A_141 = arith.addi %mul3A_140, %iota3A : vector<16xi32>
      tpu.vector_store_idx %arg9[%add3A_141], %broadcast_in_dim3A_7 {add = true} : memref<5248xf32, #tpu.memory_space<vmem>>[vector<16xi32>], vector<16xf32>,
      %get3A_142 = arith.constant 32 : index
      %get3A_143 = tpu.vector_load %arg13[%get3A_142] {strides = array<i32>} : memref<128xi32, #tpu.memory_space<vmem>>, vector<16xi32>,
      %sub3A_144 = vector.broadcast %mul3A_2 : i32 to vector<16xi32>
      %sub3A_145 = arith.subi %get3A_143, %sub3A_144 : vector<16xi32>
      %ge3A_146 = arith.constant 0 : i32
      %ge3A_147 = vector.broadcast %ge3A_146 : i32 to vector<16xi32>
      %ge3A_148 = arith.cmpi sge, %sub3A_145, %ge3A_147 : vector<16xi32>
      %lt3A_149 = arith.constant 320 : i32
      %lt3A_150 = vector.broadcast %lt3A_149 : i32 to vector<16xi32>
      %lt3A_151 = arith.cmpi slt, %sub3A_145, %lt3A_150 : vector<16xi32>
      %and3A_152 = arith.andi %ge3A_148, %lt3A_151 : vector<16xi1>
      %jit3A_153 = arith.constant 320 : i32
      %broadcast_in_dim3A_154 = vector.broadcast %jit3A_153 : i32 to vector<16xi32>
      %select_n3A_155 = arith.select %and3A_152, %sub3A_145, %broadcast_in_dim3A_154 : vector<16xi1>, vector<16xi32>
      %add3A_156 = vector.broadcast %mul3A_4 : i32 to vector<16xi32>
      %add3A_157 = arith.addi %add3A_156, %select_n3A_155 : vector<16xi32>
      %swap3A_158 = arith.constant 32 : index
      %swap3A_159 = tpu.vector_load %arg14[%swap3A_158] {strides = array<i32>} : memref<128xi32, #tpu.memory_space<vmem>>, vector<16xi32>,
      tpu.vector_store %arg14[%swap3A_158], %add3A_157 {strides = array<i32>} : memref<128xi32, #tpu.memory_space<vmem>>, vector<16xi32>,
      %mul3A_160 = arith.constant 16 : i32
      %mul3A_161 = vector.broadcast %mul3A_160 : i32 to vector<16xi32>
      %mul3A_162 = arith.muli %select_n3A_155, %mul3A_161 : vector<16xi32>
      %add3A_163 = arith.addi %mul3A_162, %iota3A : vector<16xi32>
      tpu.vector_store_idx %arg9[%add3A_163], %broadcast_in_dim3A_7 {add = true} : memref<5248xf32, #tpu.memory_space<vmem>>[vector<16xi32>], vector<16xf32>,
      %get3A_164 = arith.constant 48 : index
      %get3A_165 = tpu.vector_load %arg13[%get3A_164] {strides = array<i32>} : memref<128xi32, #tpu.memory_space<vmem>>, vector<16xi32>,
      %sub3A_166 = vector.broadcast %mul3A_2 : i32 to vector<16xi32>
      %sub3A_167 = arith.subi %get3A_165, %sub3A_166 : vector<16xi32>
      %ge3A_168 = arith.constant 0 : i32
      %ge3A_169 = vector.broadcast %ge3A_168 : i32 to vector<16xi32>
      %ge3A_170 = arith.cmpi sge, %sub3A_167, %ge3A_169 : vector<16xi32>
      %lt3A_171 = arith.constant 320 : i32
      %lt3A_172 = vector.broadcast %lt3A_171 : i32 to vector<16xi32>
      %lt3A_173 = arith.cmpi slt, %sub3A_167, %lt3A_172 : vector<16xi32>
      %and3A_174 = arith.andi %ge3A_170, %lt3A_173 : vector<16xi1>
      %jit3A_175 = arith.constant 320 : i32
      %broadcast_in_dim3A_176 = vector.broadcast %jit3A_175 : i32 to vector<16xi32>
      %select_n3A_177 = arith.select %and3A_174, %sub3A_167, %broadcast_in_dim3A_176 : vector<16xi1>, vector<16xi32>
      %add3A_178 = vector.broadcast %mul3A_4 : i32 to vector<16xi32>
      %add3A_179 = arith.addi %add3A_178, %select_n3A_177 : vector<16xi32>
      %swap3A_180 = arith.constant 48 : index
      %swap3A_181 = tpu.vector_load %arg14[%swap3A_180] {strides = array<i32>} : memref<128xi32, #tpu.memory_space<vmem>>, vector<16xi32>,
      tpu.vector_store %arg14[%swap3A_180], %add3A_179 {strides = array<i32>} : memref<128xi32, #tpu.memory_space<vmem>>, vector<16xi32>,
      %mul3A_182 = arith.constant 16 : i32
      %mul3A_183 = vector.broadcast %mul3A_182 : i32 to vector<16xi32>
      %mul3A_184 = arith.muli %select_n3A_177, %mul3A_183 : vector<16xi32>
      %add3A_185 = arith.addi %mul3A_184, %iota3A : vector<16xi32>
      tpu.vector_store_idx %arg9[%add3A_185], %broadcast_in_dim3A_7 {add = true} : memref<5248xf32, #tpu.memory_space<vmem>>[vector<16xi32>], vector<16xf32>,
      %get3A_186 = arith.constant 64 : index
      %get3A_187 = tpu.vector_load %arg13[%get3A_186] {strides = array<i32>} : memref<128xi32, #tpu.memory_space<vmem>>, vector<16xi32>,
      %sub3A_188 = vector.broadcast %mul3A_2 : i32 to vector<16xi32>
      %sub3A_189 = arith.subi %get3A_187, %sub3A_188 : vector<16xi32>
      %ge3A_190 = arith.constant 0 : i32
      %ge3A_191 = vector.broadcast %ge3A_190 : i32 to vector<16xi32>
      %ge3A_192 = arith.cmpi sge, %sub3A_189, %ge3A_191 : vector<16xi32>
      %lt3A_193 = arith.constant 320 : i32
      %lt3A_194 = vector.broadcast %lt3A_193 : i32 to vector<16xi32>
      %lt3A_195 = arith.cmpi slt, %sub3A_189, %lt3A_194 : vector<16xi32>
      %and3A_196 = arith.andi %ge3A_192, %lt3A_195 : vector<16xi1>
      %jit3A_197 = arith.constant 320 : i32
      %broadcast_in_dim3A_198 = vector.broadcast %jit3A_197 : i32 to vector<16xi32>
      %select_n3A_199 = arith.select %and3A_196, %sub3A_189, %broadcast_in_dim3A_198 : vector<16xi1>, vector<16xi32>
      %add3A_200 = vector.broadcast %mul3A_4 : i32 to vector<16xi32>
      %add3A_201 = arith.addi %add3A_200, %select_n3A_199 : vector<16xi32>
      %swap3A_202 = arith.constant 64 : index
      %swap3A_203 = tpu.vector_load %arg14[%swap3A_202] {strides = array<i32>} : memref<128xi32, #tpu.memory_space<vmem>>, vector<16xi32>,
      tpu.vector_store %arg14[%swap3A_202], %add3A_201 {strides = array<i32>} : memref<128xi32, #tpu.memory_space<vmem>>, vector<16xi32>,
      %mul3A_204 = arith.constant 16 : i32
      %mul3A_205 = vector.broadcast %mul3A_204 : i32 to vector<16xi32>
      %mul3A_206 = arith.muli %select_n3A_199, %mul3A_205 : vector<16xi32>
      %add3A_207 = arith.addi %mul3A_206, %iota3A : vector<16xi32>
      tpu.vector_store_idx %arg9[%add3A_207], %broadcast_in_dim3A_7 {add = true} : memref<5248xf32, #tpu.memory_space<vmem>>[vector<16xi32>], vector<16xf32>,
      %get3A_208 = arith.constant 80 : index
      %get3A_209 = tpu.vector_load %arg13[%get3A_208] {strides = array<i32>} : memref<128xi32, #tpu.memory_space<vmem>>, vector<16xi32>,
      %sub3A_210 = vector.broadcast %mul3A_2 : i32 to vector<16xi32>
      %sub3A_211 = arith.subi %get3A_209, %sub3A_210 : vector<16xi32>
      %ge3A_212 = arith.constant 0 : i32
      %ge3A_213 = vector.broadcast %ge3A_212 : i32 to vector<16xi32>
      %ge3A_214 = arith.cmpi sge, %sub3A_211, %ge3A_213 : vector<16xi32>
      %lt3A_215 = arith.constant 320 : i32
      %lt3A_216 = vector.broadcast %lt3A_215 : i32 to vector<16xi32>
      %lt3A_217 = arith.cmpi slt, %sub3A_211, %lt3A_216 : vector<16xi32>
      %and3A_218 = arith.andi %ge3A_214, %lt3A_217 : vector<16xi1>
      %jit3A_219 = arith.constant 320 : i32
      %broadcast_in_dim3A_220 = vector.broadcast %jit3A_219 : i32 to vector<16xi32>
      %select_n3A_221 = arith.select %and3A_218, %sub3A_211, %broadcast_in_dim3A_220 : vector<16xi1>, vector<16xi32>
      %add3A_222 = vector.broadcast %mul3A_4 : i32 to vector<16xi32>
      %add3A_223 = arith.addi %add3A_222, %select_n3A_221 : vector<16xi32>
      %swap3A_224 = arith.constant 80 : index
      %swap3A_225 = tpu.vector_load %arg14[%swap3A_224] {strides = array<i32>} : memref<128xi32, #tpu.memory_space<vmem>>, vector<16xi32>,
      tpu.vector_store %arg14[%swap3A_224], %add3A_223 {strides = array<i32>} : memref<128xi32, #tpu.memory_space<vmem>>, vector<16xi32>,
      %mul3A_226 = arith.constant 16 : i32
      %mul3A_227 = vector.broadcast %mul3A_226 : i32 to vector<16xi32>
      %mul3A_228 = arith.muli %select_n3A_221, %mul3A_227 : vector<16xi32>
      %add3A_229 = arith.addi %mul3A_228, %iota3A : vector<16xi32>
      tpu.vector_store_idx %arg9[%add3A_229], %broadcast_in_dim3A_7 {add = true} : memref<5248xf32, #tpu.memory_space<vmem>>[vector<16xi32>], vector<16xf32>,
      %get3A_230 = arith.constant 96 : index
      %get3A_231 = tpu.vector_load %arg13[%get3A_230] {strides = array<i32>} : memref<128xi32, #tpu.memory_space<vmem>>, vector<16xi32>,
      %sub3A_232 = vector.broadcast %mul3A_2 : i32 to vector<16xi32>
      %sub3A_233 = arith.subi %get3A_231, %sub3A_232 : vector<16xi32>
      %ge3A_234 = arith.constant 0 : i32
      %ge3A_235 = vector.broadcast %ge3A_234 : i32 to vector<16xi32>
      %ge3A_236 = arith.cmpi sge, %sub3A_233, %ge3A_235 : vector<16xi32>
      %lt3A_237 = arith.constant 320 : i32
      %lt3A_238 = vector.broadcast %lt3A_237 : i32 to vector<16xi32>
      %lt3A_239 = arith.cmpi slt, %sub3A_233, %lt3A_238 : vector<16xi32>
      %and3A_240 = arith.andi %ge3A_236, %lt3A_239 : vector<16xi1>
      %jit3A_241 = arith.constant 320 : i32
      %broadcast_in_dim3A_242 = vector.broadcast %jit3A_241 : i32 to vector<16xi32>
      %select_n3A_243 = arith.select %and3A_240, %sub3A_233, %broadcast_in_dim3A_242 : vector<16xi1>, vector<16xi32>
      %add3A_244 = vector.broadcast %mul3A_4 : i32 to vector<16xi32>
      %add3A_245 = arith.addi %add3A_244, %select_n3A_243 : vector<16xi32>
      %swap3A_246 = arith.constant 96 : index
      %swap3A_247 = tpu.vector_load %arg14[%swap3A_246] {strides = array<i32>} : memref<128xi32, #tpu.memory_space<vmem>>, vector<16xi32>,
      tpu.vector_store %arg14[%swap3A_246], %add3A_245 {strides = array<i32>} : memref<128xi32, #tpu.memory_space<vmem>>, vector<16xi32>,
      %mul3A_248 = arith.constant 16 : i32
      %mul3A_249 = vector.broadcast %mul3A_248 : i32 to vector<16xi32>
      %mul3A_250 = arith.muli %select_n3A_243, %mul3A_249 : vector<16xi32>
      %add3A_251 = arith.addi %mul3A_250, %iota3A : vector<16xi32>
      tpu.vector_store_idx %arg9[%add3A_251], %broadcast_in_dim3A_7 {add = true} : memref<5248xf32, #tpu.memory_space<vmem>>[vector<16xi32>], vector<16xf32>,
      %get3A_252 = arith.constant 112 : index
      %get3A_253 = tpu.vector_load %arg13[%get3A_252] {strides = array<i32>} : memref<128xi32, #tpu.memory_space<vmem>>, vector<16xi32>,
      %sub3A_254 = vector.broadcast %mul3A_2 : i32 to vector<16xi32>
      %sub3A_255 = arith.subi %get3A_253, %sub3A_254 : vector<16xi32>
      %ge3A_256 = arith.constant 0 : i32
      %ge3A_257 = vector.broadcast %ge3A_256 : i32 to vector<16xi32>
      %ge3A_258 = arith.cmpi sge, %sub3A_255, %ge3A_257 : vector<16xi32>
      %lt3A_259 = arith.constant 320 : i32
      %lt3A_260 = vector.broadcast %lt3A_259 : i32 to vector<16xi32>
      %lt3A_261 = arith.cmpi slt, %sub3A_255, %lt3A_260 : vector<16xi32>
      %and3A_262 = arith.andi %ge3A_258, %lt3A_261 : vector<16xi1>
      %jit3A_263 = arith.constant 320 : i32
      %broadcast_in_dim3A_264 = vector.broadcast %jit3A_263 : i32 to vector<16xi32>
      %select_n3A_265 = arith.select %and3A_262, %sub3A_255, %broadcast_in_dim3A_264 : vector<16xi1>, vector<16xi32>
      %add3A_266 = vector.broadcast %mul3A_4 : i32 to vector<16xi32>
      %add3A_267 = arith.addi %add3A_266, %select_n3A_265 : vector<16xi32>
      %swap3A_268 = arith.constant 112 : index
      %swap3A_269 = tpu.vector_load %arg14[%swap3A_268] {strides = array<i32>} : memref<128xi32, #tpu.memory_space<vmem>>, vector<16xi32>,
      tpu.vector_store %arg14[%swap3A_268], %add3A_267 {strides = array<i32>} : memref<128xi32, #tpu.memory_space<vmem>>, vector<16xi32>,
      %mul3A_270 = arith.constant 16 : i32
      %mul3A_271 = vector.broadcast %mul3A_270 : i32 to vector<16xi32>
      %mul3A_272 = arith.muli %select_n3A_265, %mul3A_271 : vector<16xi32>
      %add3A_273 = arith.addi %mul3A_272, %iota3A : vector<16xi32>
      tpu.vector_store_idx %arg9[%add3A_273], %broadcast_in_dim3A_7 {add = true} : memref<5248xf32, #tpu.memory_space<vmem>>[vector<16xi32>], vector<16xf32>,
      "tpu.region"() ({
        %run_scoped3A = tpu.sem_alloc : memref<!tpu.dma_semaphore, #tpu.memory_space<semaphore_mem>>
        %dma_start3A = arith.constant 0 : i32
        %dma_start3A_274 = arith.constant 0 : i32
        %dma_start3A_275 = tpu.memref_slice %arg2[%dma_start3A, %dma_start3A_274] : memref<10000x128xf32, #tpu.memory_space<hbm>> -> memref<10000x128xf32, #tpu.memory_space<hbm>>
        tpu.enqueue_indirect_dma source(%dma_start3A_275 : memref<10000x128xf32, #tpu.memory_space<hbm>>) target(%arg11 : memref<128x128xf32, #tpu.memory_space<vmem>>) offsets(%arg12 : memref<128xi32, #tpu.memory_space<vmem>>) semaphore(%run_scoped3A : memref<!tpu.dma_semaphore, #tpu.memory_space<semaphore_mem>>)
        %dma_wait3A = arith.constant 0 : i32
        %dma_wait3A_276 = arith.constant 0 : i32
        %dma_wait3A_277 = tpu.memref_slice %arg2[%dma_wait3A, %dma_wait3A_276] : memref<10000x128xf32, #tpu.memory_space<hbm>> -> memref<10000x128xf32, #tpu.memory_space<hbm>>
        tpu.wait_indirect_dma semaphore(%run_scoped3A : memref<!tpu.dma_semaphore, #tpu.memory_space<semaphore_mem>>) src(%dma_wait3A_277 : memref<10000x128xf32, #tpu.memory_space<hbm>>) dst(%arg11 : memref<128x128xf32, #tpu.memory_space<vmem>>)
        tpu.yield
      }) : () -> ()
      "tpu.region"() ({
        %run_scoped3A = tpu.sem_alloc : memref<!tpu.dma_semaphore, #tpu.memory_space<semaphore_mem>>
        %dma_start3A = arith.constant 0 : i32
        %dma_start3A_274 = arith.constant 0 : i32
        %dma_start3A_275 = tpu.memref_slice %arg7[%dma_start3A, %dma_start3A_274] : memref<5248x128xf32, #tpu.memory_space<vmem_shared>> -> memref<5248x128xf32, #tpu.memory_space<vmem_shared>>
        tpu.enqueue_indirect_dma source(%arg11 : memref<128x128xf32, #tpu.memory_space<vmem>>) target(%dma_start3A_275 : memref<5248x128xf32, #tpu.memory_space<vmem_shared>>) offsets(%arg14 : memref<128xi32, #tpu.memory_space<vmem>>) semaphore(%run_scoped3A : memref<!tpu.dma_semaphore, #tpu.memory_space<semaphore_mem>>) {add = true}
        %dma_wait3A = arith.constant 0 : i32
        %dma_wait3A_276 = arith.constant 0 : i32
        %dma_wait3A_277 = tpu.memref_slice %arg7[%dma_wait3A, %dma_wait3A_276] : memref<5248x128xf32, #tpu.memory_space<vmem_shared>> -> memref<5248x128xf32, #tpu.memory_space<vmem_shared>>
        tpu.wait_indirect_dma semaphore(%run_scoped3A : memref<!tpu.dma_semaphore, #tpu.memory_space<semaphore_mem>>) src(%arg11 : memref<128x128xf32, #tpu.memory_space<vmem>>) dst(%dma_wait3A_277 : memref<5248x128xf32, #tpu.memory_space<vmem_shared>>)
        tpu.yield
      }) : () -> ()
    }
    %while3A_93 = arith.constant 1 : i32
    scf.for %while3A_99 = %while3A_91 to %while3A_87 step %while3A_93  : i32 {
      %mul3A_100 = arith.constant 128 : i32
      %mul3A_101 = arith.muli %while3A_99, %mul3A_100 : i32
      %multiple_of3A = tpu.assume_multiple %mul3A_101, 128 : i32
      "tpu.region"() ({
        %run_scoped3A = tpu.sem_alloc : memref<!tpu.dma_semaphore, #tpu.memory_space<semaphore_mem>>
        %dma_start3A = tpu.memref_slice %arg3[%multiple_of3A] : memref<320000xi32, #tpu.memory_space<hbm>> -> memref<128xi32, #tpu.memory_space<hbm>>
        %dma_start3A_274 = tpu.memref_slice %arg3[%multiple_of3A] : memref<320000xi32, #tpu.memory_space<hbm>> -> memref<128xi32, #tpu.memory_space<hbm>>
        tpu.enqueue_dma source(%dma_start3A_274 : memref<128xi32, #tpu.memory_space<hbm>>) target(%arg12 : memref<128xi32, #tpu.memory_space<vmem>>) target_semaphore(%run_scoped3A : memref<!tpu.dma_semaphore, #tpu.memory_space<semaphore_mem>>)
        %dma_wait3A = tpu.memref_slice %arg3[%multiple_of3A] : memref<320000xi32, #tpu.memory_space<hbm>> -> memref<128xi32, #tpu.memory_space<hbm>>
        %dma_wait3A_275 = tpu.memref_slice %arg3[%multiple_of3A] : memref<320000xi32, #tpu.memory_space<hbm>> -> memref<128xi32, #tpu.memory_space<hbm>>
        tpu.wait_dma2 semaphore(%run_scoped3A : memref<!tpu.dma_semaphore, #tpu.memory_space<semaphore_mem>>) src(%dma_wait3A_275 : memref<128xi32, #tpu.memory_space<hbm>>) dst(%arg12 : memref<128xi32, #tpu.memory_space<vmem>>)
        tpu.yield
      }) : () -> ()
      "tpu.region"() ({
        %run_scoped3A = tpu.sem_alloc : memref<!tpu.dma_semaphore, #tpu.memory_space<semaphore_mem>>
        %dma_start3A = tpu.memref_slice %arg4[%multiple_of3A] : memref<320000xi32, #tpu.memory_space<hbm>> -> memref<128xi32, #tpu.memory_space<hbm>>
        %dma_start3A_274 = tpu.memref_slice %arg4[%multiple_of3A] : memref<320000xi32, #tpu.memory_space<hbm>> -> memref<128xi32, #tpu.memory_space<hbm>>
        tpu.enqueue_dma source(%dma_start3A_274 : memref<128xi32, #tpu.memory_space<hbm>>) target(%arg13 : memref<128xi32, #tpu.memory_space<vmem>>) target_semaphore(%run_scoped3A : memref<!tpu.dma_semaphore, #tpu.memory_space<semaphore_mem>>)
        %dma_wait3A = tpu.memref_slice %arg4[%multiple_of3A] : memref<320000xi32, #tpu.memory_space<hbm>> -> memref<128xi32, #tpu.memory_space<hbm>>
        %dma_wait3A_275 = tpu.memref_slice %arg4[%multiple_of3A] : memref<320000xi32, #tpu.memory_space<hbm>> -> memref<128xi32, #tpu.memory_space<hbm>>
        tpu.wait_dma2 semaphore(%run_scoped3A : memref<!tpu.dma_semaphore, #tpu.memory_space<semaphore_mem>>) src(%dma_wait3A_275 : memref<128xi32, #tpu.memory_space<hbm>>) dst(%arg13 : memref<128xi32, #tpu.memory_space<vmem>>)
        tpu.yield
      }) : () -> ()
      %get3A = arith.constant 0 : index
      %get3A_102 = tpu.vector_load %arg13[%get3A] {strides = array<i32>} : memref<128xi32, #tpu.memory_space<vmem>>, vector<16xi32>,
      %sub3A_103 = vector.broadcast %mul3A_2 : i32 to vector<16xi32>
      %sub3A_104 = arith.subi %get3A_102, %sub3A_103 : vector<16xi32>
      %ge3A = arith.constant 0 : i32
      %ge3A_105 = vector.broadcast %ge3A : i32 to vector<16xi32>
      %ge3A_106 = arith.cmpi sge, %sub3A_104, %ge3A_105 : vector<16xi32>
      %lt3A = arith.constant 320 : i32
      %lt3A_107 = vector.broadcast %lt3A : i32 to vector<16xi32>
      %lt3A_108 = arith.cmpi slt, %sub3A_104, %lt3A_107 : vector<16xi32>
      %and3A_109 = arith.andi %ge3A_106, %lt3A_108 : vector<16xi1>
      %jit3A_110 = arith.constant 320 : i32
      %broadcast_in_dim3A_111 = vector.broadcast %jit3A_110 : i32 to vector<16xi32>
      %select_n3A_112 = arith.select %and3A_109, %sub3A_104, %broadcast_in_dim3A_111 : vector<16xi1>, vector<16xi32>
      %add3A_113 = vector.broadcast %mul3A_4 : i32 to vector<16xi32>
      %add3A_114 = arith.addi %add3A_113, %select_n3A_112 : vector<16xi32>
      %swap3A = arith.constant 0 : index
      %swap3A_115 = tpu.vector_load %arg14[%swap3A] {strides = array<i32>} : memref<128xi32, #tpu.memory_space<vmem>>, vector<16xi32>,
      tpu.vector_store %arg14[%swap3A], %add3A_114 {strides = array<i32>} : memref<128xi32, #tpu.memory_space<vmem>>, vector<16xi32>,
      %mul3A_116 = arith.constant 16 : i32
      %mul3A_117 = vector.broadcast %mul3A_116 : i32 to vector<16xi32>
      %mul3A_118 = arith.muli %select_n3A_112, %mul3A_117 : vector<16xi32>
      %add3A_119 = arith.addi %mul3A_118, %iota3A : vector<16xi32>
      tpu.vector_store_idx %arg9[%add3A_119], %broadcast_in_dim3A_7 {add = true} : memref<5248xf32, #tpu.memory_space<vmem>>[vector<16xi32>], vector<16xf32>,
      %get3A_120 = arith.constant 16 : index
      %get3A_121 = tpu.vector_load %arg13[%get3A_120] {strides = array<i32>} : memref<128xi32, #tpu.memory_space<vmem>>, vector<16xi32>,
      %sub3A_122 = vector.broadcast %mul3A_2 : i32 to vector<16xi32>
      %sub3A_123 = arith.subi %get3A_121, %sub3A_122 : vector<16xi32>
      %ge3A_124 = arith.constant 0 : i32
      %ge3A_125 = vector.broadcast %ge3A_124 : i32 to vector<16xi32>
      %ge3A_126 = arith.cmpi sge, %sub3A_123, %ge3A_125 : vector<16xi32>
      %lt3A_127 = arith.constant 320 : i32
      %lt3A_128 = vector.broadcast %lt3A_127 : i32 to vector<16xi32>
      %lt3A_129 = arith.cmpi slt, %sub3A_123, %lt3A_128 : vector<16xi32>
      %and3A_130 = arith.andi %ge3A_126, %lt3A_129 : vector<16xi1>
      %jit3A_131 = arith.constant 320 : i32
      %broadcast_in_dim3A_132 = vector.broadcast %jit3A_131 : i32 to vector<16xi32>
      %select_n3A_133 = arith.select %and3A_130, %sub3A_123, %broadcast_in_dim3A_132 : vector<16xi1>, vector<16xi32>
      %add3A_134 = vector.broadcast %mul3A_4 : i32 to vector<16xi32>
      %add3A_135 = arith.addi %add3A_134, %select_n3A_133 : vector<16xi32>
      %swap3A_136 = arith.constant 16 : index
      %swap3A_137 = tpu.vector_load %arg14[%swap3A_136] {strides = array<i32>} : memref<128xi32, #tpu.memory_space<vmem>>, vector<16xi32>,
      tpu.vector_store %arg14[%swap3A_136], %add3A_135 {strides = array<i32>} : memref<128xi32, #tpu.memory_space<vmem>>, vector<16xi32>,
      %mul3A_138 = arith.constant 16 : i32
      %mul3A_139 = vector.broadcast %mul3A_138 : i32 to vector<16xi32>
      %mul3A_140 = arith.muli %select_n3A_133, %mul3A_139 : vector<16xi32>
      %add3A_141 = arith.addi %mul3A_140, %iota3A : vector<16xi32>
      tpu.vector_store_idx %arg9[%add3A_141], %broadcast_in_dim3A_7 {add = true} : memref<5248xf32, #tpu.memory_space<vmem>>[vector<16xi32>], vector<16xf32>,
      %get3A_142 = arith.constant 32 : index
      %get3A_143 = tpu.vector_load %arg13[%get3A_142] {strides = array<i32>} : memref<128xi32, #tpu.memory_space<vmem>>, vector<16xi32>,
      %sub3A_144 = vector.broadcast %mul3A_2 : i32 to vector<16xi32>
      %sub3A_145 = arith.subi %get3A_143, %sub3A_144 : vector<16xi32>
      %ge3A_146 = arith.constant 0 : i32
      %ge3A_147 = vector.broadcast %ge3A_146 : i32 to vector<16xi32>
      %ge3A_148 = arith.cmpi sge, %sub3A_145, %ge3A_147 : vector<16xi32>
      %lt3A_149 = arith.constant 320 : i32
      %lt3A_150 = vector.broadcast %lt3A_149 : i32 to vector<16xi32>
      %lt3A_151 = arith.cmpi slt, %sub3A_145, %lt3A_150 : vector<16xi32>
      %and3A_152 = arith.andi %ge3A_148, %lt3A_151 : vector<16xi1>
      %jit3A_153 = arith.constant 320 : i32
      %broadcast_in_dim3A_154 = vector.broadcast %jit3A_153 : i32 to vector<16xi32>
      %select_n3A_155 = arith.select %and3A_152, %sub3A_145, %broadcast_in_dim3A_154 : vector<16xi1>, vector<16xi32>
      %add3A_156 = vector.broadcast %mul3A_4 : i32 to vector<16xi32>
      %add3A_157 = arith.addi %add3A_156, %select_n3A_155 : vector<16xi32>
      %swap3A_158 = arith.constant 32 : index
      %swap3A_159 = tpu.vector_load %arg14[%swap3A_158] {strides = array<i32>} : memref<128xi32, #tpu.memory_space<vmem>>, vector<16xi32>,
      tpu.vector_store %arg14[%swap3A_158], %add3A_157 {strides = array<i32>} : memref<128xi32, #tpu.memory_space<vmem>>, vector<16xi32>,
      %mul3A_160 = arith.constant 16 : i32
      %mul3A_161 = vector.broadcast %mul3A_160 : i32 to vector<16xi32>
      %mul3A_162 = arith.muli %select_n3A_155, %mul3A_161 : vector<16xi32>
      %add3A_163 = arith.addi %mul3A_162, %iota3A : vector<16xi32>
      tpu.vector_store_idx %arg9[%add3A_163], %broadcast_in_dim3A_7 {add = true} : memref<5248xf32, #tpu.memory_space<vmem>>[vector<16xi32>], vector<16xf32>,
      %get3A_164 = arith.constant 48 : index
      %get3A_165 = tpu.vector_load %arg13[%get3A_164] {strides = array<i32>} : memref<128xi32, #tpu.memory_space<vmem>>, vector<16xi32>,
      %sub3A_166 = vector.broadcast %mul3A_2 : i32 to vector<16xi32>
      %sub3A_167 = arith.subi %get3A_165, %sub3A_166 : vector<16xi32>
      %ge3A_168 = arith.constant 0 : i32
      %ge3A_169 = vector.broadcast %ge3A_168 : i32 to vector<16xi32>
      %ge3A_170 = arith.cmpi sge, %sub3A_167, %ge3A_169 : vector<16xi32>
      %lt3A_171 = arith.constant 320 : i32
      %lt3A_172 = vector.broadcast %lt3A_171 : i32 to vector<16xi32>
      %lt3A_173 = arith.cmpi slt, %sub3A_167, %lt3A_172 : vector<16xi32>
      %and3A_174 = arith.andi %ge3A_170, %lt3A_173 : vector<16xi1>
      %jit3A_175 = arith.constant 320 : i32
      %broadcast_in_dim3A_176 = vector.broadcast %jit3A_175 : i32 to vector<16xi32>
      %select_n3A_177 = arith.select %and3A_174, %sub3A_167, %broadcast_in_dim3A_176 : vector<16xi1>, vector<16xi32>
      %add3A_178 = vector.broadcast %mul3A_4 : i32 to vector<16xi32>
      %add3A_179 = arith.addi %add3A_178, %select_n3A_177 : vector<16xi32>
      %swap3A_180 = arith.constant 48 : index
      %swap3A_181 = tpu.vector_load %arg14[%swap3A_180] {strides = array<i32>} : memref<128xi32, #tpu.memory_space<vmem>>, vector<16xi32>,
      tpu.vector_store %arg14[%swap3A_180], %add3A_179 {strides = array<i32>} : memref<128xi32, #tpu.memory_space<vmem>>, vector<16xi32>,
      %mul3A_182 = arith.constant 16 : i32
      %mul3A_183 = vector.broadcast %mul3A_182 : i32 to vector<16xi32>
      %mul3A_184 = arith.muli %select_n3A_177, %mul3A_183 : vector<16xi32>
      %add3A_185 = arith.addi %mul3A_184, %iota3A : vector<16xi32>
      tpu.vector_store_idx %arg9[%add3A_185], %broadcast_in_dim3A_7 {add = true} : memref<5248xf32, #tpu.memory_space<vmem>>[vector<16xi32>], vector<16xf32>,
      %get3A_186 = arith.constant 64 : index
      %get3A_187 = tpu.vector_load %arg13[%get3A_186] {strides = array<i32>} : memref<128xi32, #tpu.memory_space<vmem>>, vector<16xi32>,
      %sub3A_188 = vector.broadcast %mul3A_2 : i32 to vector<16xi32>
      %sub3A_189 = arith.subi %get3A_187, %sub3A_188 : vector<16xi32>
      %ge3A_190 = arith.constant 0 : i32
      %ge3A_191 = vector.broadcast %ge3A_190 : i32 to vector<16xi32>
      %ge3A_192 = arith.cmpi sge, %sub3A_189, %ge3A_191 : vector<16xi32>
      %lt3A_193 = arith.constant 320 : i32
      %lt3A_194 = vector.broadcast %lt3A_193 : i32 to vector<16xi32>
      %lt3A_195 = arith.cmpi slt, %sub3A_189, %lt3A_194 : vector<16xi32>
      %and3A_196 = arith.andi %ge3A_192, %lt3A_195 : vector<16xi1>
      %jit3A_197 = arith.constant 320 : i32
      %broadcast_in_dim3A_198 = vector.broadcast %jit3A_197 : i32 to vector<16xi32>
      %select_n3A_199 = arith.select %and3A_196, %sub3A_189, %broadcast_in_dim3A_198 : vector<16xi1>, vector<16xi32>
      %add3A_200 = vector.broadcast %mul3A_4 : i32 to vector<16xi32>
      %add3A_201 = arith.addi %add3A_200, %select_n3A_199 : vector<16xi32>
      %swap3A_202 = arith.constant 64 : index
      %swap3A_203 = tpu.vector_load %arg14[%swap3A_202] {strides = array<i32>} : memref<128xi32, #tpu.memory_space<vmem>>, vector<16xi32>,
      tpu.vector_store %arg14[%swap3A_202], %add3A_201 {strides = array<i32>} : memref<128xi32, #tpu.memory_space<vmem>>, vector<16xi32>,
      %mul3A_204 = arith.constant 16 : i32
      %mul3A_205 = vector.broadcast %mul3A_204 : i32 to vector<16xi32>
      %mul3A_206 = arith.muli %select_n3A_199, %mul3A_205 : vector<16xi32>
      %add3A_207 = arith.addi %mul3A_206, %iota3A : vector<16xi32>
      tpu.vector_store_idx %arg9[%add3A_207], %broadcast_in_dim3A_7 {add = true} : memref<5248xf32, #tpu.memory_space<vmem>>[vector<16xi32>], vector<16xf32>,
      %get3A_208 = arith.constant 80 : index
      %get3A_209 = tpu.vector_load %arg13[%get3A_208] {strides = array<i32>} : memref<128xi32, #tpu.memory_space<vmem>>, vector<16xi32>,
      %sub3A_210 = vector.broadcast %mul3A_2 : i32 to vector<16xi32>
      %sub3A_211 = arith.subi %get3A_209, %sub3A_210 : vector<16xi32>
      %ge3A_212 = arith.constant 0 : i32
      %ge3A_213 = vector.broadcast %ge3A_212 : i32 to vector<16xi32>
      %ge3A_214 = arith.cmpi sge, %sub3A_211, %ge3A_213 : vector<16xi32>
      %lt3A_215 = arith.constant 320 : i32
      %lt3A_216 = vector.broadcast %lt3A_215 : i32 to vector<16xi32>
      %lt3A_217 = arith.cmpi slt, %sub3A_211, %lt3A_216 : vector<16xi32>
      %and3A_218 = arith.andi %ge3A_214, %lt3A_217 : vector<16xi1>
      %jit3A_219 = arith.constant 320 : i32
      %broadcast_in_dim3A_220 = vector.broadcast %jit3A_219 : i32 to vector<16xi32>
      %select_n3A_221 = arith.select %and3A_218, %sub3A_211, %broadcast_in_dim3A_220 : vector<16xi1>, vector<16xi32>
      %add3A_222 = vector.broadcast %mul3A_4 : i32 to vector<16xi32>
      %add3A_223 = arith.addi %add3A_222, %select_n3A_221 : vector<16xi32>
      %swap3A_224 = arith.constant 80 : index
      %swap3A_225 = tpu.vector_load %arg14[%swap3A_224] {strides = array<i32>} : memref<128xi32, #tpu.memory_space<vmem>>, vector<16xi32>,
      tpu.vector_store %arg14[%swap3A_224], %add3A_223 {strides = array<i32>} : memref<128xi32, #tpu.memory_space<vmem>>, vector<16xi32>,
      %mul3A_226 = arith.constant 16 : i32
      %mul3A_227 = vector.broadcast %mul3A_226 : i32 to vector<16xi32>
      %mul3A_228 = arith.muli %select_n3A_221, %mul3A_227 : vector<16xi32>
      %add3A_229 = arith.addi %mul3A_228, %iota3A : vector<16xi32>
      tpu.vector_store_idx %arg9[%add3A_229], %broadcast_in_dim3A_7 {add = true} : memref<5248xf32, #tpu.memory_space<vmem>>[vector<16xi32>], vector<16xf32>,
      %get3A_230 = arith.constant 96 : index
      %get3A_231 = tpu.vector_load %arg13[%get3A_230] {strides = array<i32>} : memref<128xi32, #tpu.memory_space<vmem>>, vector<16xi32>,
      %sub3A_232 = vector.broadcast %mul3A_2 : i32 to vector<16xi32>
      %sub3A_233 = arith.subi %get3A_231, %sub3A_232 : vector<16xi32>
      %ge3A_234 = arith.constant 0 : i32
      %ge3A_235 = vector.broadcast %ge3A_234 : i32 to vector<16xi32>
      %ge3A_236 = arith.cmpi sge, %sub3A_233, %ge3A_235 : vector<16xi32>
      %lt3A_237 = arith.constant 320 : i32
      %lt3A_238 = vector.broadcast %lt3A_237 : i32 to vector<16xi32>
      %lt3A_239 = arith.cmpi slt, %sub3A_233, %lt3A_238 : vector<16xi32>
      %and3A_240 = arith.andi %ge3A_236, %lt3A_239 : vector<16xi1>
      %jit3A_241 = arith.constant 320 : i32
      %broadcast_in_dim3A_242 = vector.broadcast %jit3A_241 : i32 to vector<16xi32>
      %select_n3A_243 = arith.select %and3A_240, %sub3A_233, %broadcast_in_dim3A_242 : vector<16xi1>, vector<16xi32>
      %add3A_244 = vector.broadcast %mul3A_4 : i32 to vector<16xi32>
      %add3A_245 = arith.addi %add3A_244, %select_n3A_243 : vector<16xi32>
      %swap3A_246 = arith.constant 96 : index
      %swap3A_247 = tpu.vector_load %arg14[%swap3A_246] {strides = array<i32>} : memref<128xi32, #tpu.memory_space<vmem>>, vector<16xi32>,
      tpu.vector_store %arg14[%swap3A_246], %add3A_245 {strides = array<i32>} : memref<128xi32, #tpu.memory_space<vmem>>, vector<16xi32>,
      %mul3A_248 = arith.constant 16 : i32
      %mul3A_249 = vector.broadcast %mul3A_248 : i32 to vector<16xi32>
      %mul3A_250 = arith.muli %select_n3A_243, %mul3A_249 : vector<16xi32>
      %add3A_251 = arith.addi %mul3A_250, %iota3A : vector<16xi32>
      tpu.vector_store_idx %arg9[%add3A_251], %broadcast_in_dim3A_7 {add = true} : memref<5248xf32, #tpu.memory_space<vmem>>[vector<16xi32>], vector<16xf32>,
      %get3A_252 = arith.constant 112 : index
      %get3A_253 = tpu.vector_load %arg13[%get3A_252] {strides = array<i32>} : memref<128xi32, #tpu.memory_space<vmem>>, vector<16xi32>,
      %sub3A_254 = vector.broadcast %mul3A_2 : i32 to vector<16xi32>
      %sub3A_255 = arith.subi %get3A_253, %sub3A_254 : vector<16xi32>
      %ge3A_256 = arith.constant 0 : i32
      %ge3A_257 = vector.broadcast %ge3A_256 : i32 to vector<16xi32>
      %ge3A_258 = arith.cmpi sge, %sub3A_255, %ge3A_257 : vector<16xi32>
      %lt3A_259 = arith.constant 320 : i32
      %lt3A_260 = vector.broadcast %lt3A_259 : i32 to vector<16xi32>
      %lt3A_261 = arith.cmpi slt, %sub3A_255, %lt3A_260 : vector<16xi32>
      %and3A_262 = arith.andi %ge3A_258, %lt3A_261 : vector<16xi1>
      %jit3A_263 = arith.constant 320 : i32
      %broadcast_in_dim3A_264 = vector.broadcast %jit3A_263 : i32 to vector<16xi32>
      %select_n3A_265 = arith.select %and3A_262, %sub3A_255, %broadcast_in_dim3A_264 : vector<16xi1>, vector<16xi32>
      %add3A_266 = vector.broadcast %mul3A_4 : i32 to vector<16xi32>
      %add3A_267 = arith.addi %add3A_266, %select_n3A_265 : vector<16xi32>
      %swap3A_268 = arith.constant 112 : index
      %swap3A_269 = tpu.vector_load %arg14[%swap3A_268] {strides = array<i32>} : memref<128xi32, #tpu.memory_space<vmem>>, vector<16xi32>,
      tpu.vector_store %arg14[%swap3A_268], %add3A_267 {strides = array<i32>} : memref<128xi32, #tpu.memory_space<vmem>>, vector<16xi32>,
      %mul3A_270 = arith.constant 16 : i32
      %mul3A_271 = vector.broadcast %mul3A_270 : i32 to vector<16xi32>
      %mul3A_272 = arith.muli %select_n3A_265, %mul3A_271 : vector<16xi32>
      %add3A_273 = arith.addi %mul3A_272, %iota3A : vector<16xi32>
      tpu.vector_store_idx %arg9[%add3A_273], %broadcast_in_dim3A_7 {add = true} : memref<5248xf32, #tpu.memory_space<vmem>>[vector<16xi32>], vector<16xf32>,
      "tpu.region"() ({
        %run_scoped3A = tpu.sem_alloc : memref<!tpu.dma_semaphore, #tpu.memory_space<semaphore_mem>>
        %dma_start3A = arith.constant 0 : i32
        %dma_start3A_274 = arith.constant 0 : i32
        %dma_start3A_275 = tpu.memref_slice %arg2[%dma_start3A, %dma_start3A_274] : memref<10000x128xf32, #tpu.memory_space<hbm>> -> memref<10000x128xf32, #tpu.memory_space<hbm>>
        tpu.enqueue_indirect_dma source(%dma_start3A_275 : memref<10000x128xf32, #tpu.memory_space<hbm>>) target(%arg11 : memref<128x128xf32, #tpu.memory_space<vmem>>) offsets(%arg12 : memref<128xi32, #tpu.memory_space<vmem>>) semaphore(%run_scoped3A : memref<!tpu.dma_semaphore, #tpu.memory_space<semaphore_mem>>)
        %dma_wait3A = arith.constant 0 : i32
        %dma_wait3A_276 = arith.constant 0 : i32
        %dma_wait3A_277 = tpu.memref_slice %arg2[%dma_wait3A, %dma_wait3A_276] : memref<10000x128xf32, #tpu.memory_space<hbm>> -> memref<10000x128xf32, #tpu.memory_space<hbm>>
        tpu.wait_indirect_dma semaphore(%run_scoped3A : memref<!tpu.dma_semaphore, #tpu.memory_space<semaphore_mem>>) src(%dma_wait3A_277 : memref<10000x128xf32, #tpu.memory_space<hbm>>) dst(%arg11 : memref<128x128xf32, #tpu.memory_space<vmem>>)
        tpu.yield
      }) : () -> ()
      "tpu.region"() ({
        %run_scoped3A = tpu.sem_alloc : memref<!tpu.dma_semaphore, #tpu.memory_space<semaphore_mem>>
        %dma_start3A = arith.constant 0 : i32
        %dma_start3A_274 = arith.constant 0 : i32
        %dma_start3A_275 = tpu.memref_slice %arg7[%dma_start3A, %dma_start3A_274] : memref<5248x128xf32, #tpu.memory_space<vmem_shared>> -> memref<5248x128xf32, #tpu.memory_space<vmem_shared>>
        tpu.enqueue_indirect_dma source(%arg11 : memref<128x128xf32, #tpu.memory_space<vmem>>) target(%dma_start3A_275 : memref<5248x128xf32, #tpu.memory_space<vmem_shared>>) offsets(%arg14 : memref<128xi32, #tpu.memory_space<vmem>>) semaphore(%run_scoped3A : memref<!tpu.dma_semaphore, #tpu.memory_space<semaphore_mem>>) {add = true}
        %dma_wait3A = arith.constant 0 : i32
        %dma_wait3A_276 = arith.constant 0 : i32
        %dma_wait3A_277 = tpu.memref_slice %arg7[%dma_wait3A, %dma_wait3A_276] : memref<5248x128xf32, #tpu.memory_space<vmem_shared>> -> memref<5248x128xf32, #tpu.memory_space<vmem_shared>>
        tpu.wait_indirect_dma semaphore(%run_scoped3A : memref<!tpu.dma_semaphore, #tpu.memory_space<semaphore_mem>>) src(%arg11 : memref<128x128xf32, #tpu.memory_space<vmem>>) dst(%dma_wait3A_277 : memref<5248x128xf32, #tpu.memory_space<vmem_shared>>)
        tpu.yield
      }) : () -> ()
    }
    %scan3A_94 = arith.constant 0 : i32
    %scan3A_95 = arith.constant 5 : i32
    %scan3A_96 = arith.addi %scan3A_94, %scan3A_95 : i32
    %scan3A_97 = arith.constant 1 : i32
    scf.for %scan3A_99 = %scan3A_94 to %scan3A_96 step %scan3A_97  : i32 {
      %mul3A_100 = arith.constant 1 : i32
      %mul3A_101 = arith.muli %scan3A_99, %mul3A_100 : i32
      %add3A_102 = arith.constant 0 : i32
      %add3A_103 = arith.addi %add3A_102, %mul3A_101 : i32
      %mul3A_104 = arith.constant 64 : i32
      %mul3A_105 = arith.muli %add3A_103, %mul3A_104 : i32
      %add3A_106 = arith.addi %mul3A_4, %mul3A_105 : i32
      "tpu.region"() ({
        %run_scoped3A = tpu.sem_alloc : memref<!tpu.dma_semaphore, #tpu.memory_space<semaphore_mem>>
        %dma_start3A = arith.constant 0 : i32
        %dma_start3A_115 = tpu.memref_slice %arg7[%add3A_106, %dma_start3A] : memref<5248x128xf32, #tpu.memory_space<vmem_shared>> -> memref<64x128xf32, #tpu.memory_space<vmem_shared>>
        %dma_start3A_116 = arith.constant 0 : i32
        %dma_start3A_117 = tpu.memref_slice %arg7[%add3A_106, %dma_start3A_116] : memref<5248x128xf32, #tpu.memory_space<vmem_shared>> -> memref<64x128xf32, #tpu.memory_space<vmem_shared>>
        tpu.enqueue_dma source(%dma_start3A_117 : memref<64x128xf32, #tpu.memory_space<vmem_shared>>) target(%arg8 : memref<64x128xf32, #tpu.memory_space<vmem>>) target_semaphore(%run_scoped3A : memref<!tpu.dma_semaphore, #tpu.memory_space<semaphore_mem>>)
        %dma_wait3A = arith.constant 0 : i32
        %dma_wait3A_118 = tpu.memref_slice %arg7[%add3A_106, %dma_wait3A] : memref<5248x128xf32, #tpu.memory_space<vmem_shared>> -> memref<64x128xf32, #tpu.memory_space<vmem_shared>>
        %dma_wait3A_119 = arith.constant 0 : i32
        %dma_wait3A_120 = tpu.memref_slice %arg7[%add3A_106, %dma_wait3A_119] : memref<5248x128xf32, #tpu.memory_space<vmem_shared>> -> memref<64x128xf32, #tpu.memory_space<vmem_shared>>
        tpu.wait_dma2 semaphore(%run_scoped3A : memref<!tpu.dma_semaphore, #tpu.memory_space<semaphore_mem>>) src(%dma_wait3A_120 : memref<64x128xf32, #tpu.memory_space<vmem_shared>>) dst(%arg8 : memref<64x128xf32, #tpu.memory_space<vmem>>)
        tpu.yield
      }) : () -> ()
      %scan3A_107 = arith.constant 0 : i32
      %scan3A_108 = arith.constant 64 : i32
      %scan3A_109 = arith.addi %scan3A_107, %scan3A_108 : i32
      %scan3A_110 = arith.constant 1 : i32
      scf.for %scan3A_115 = %scan3A_107 to %scan3A_109 step %scan3A_110  : i32 {
        %mul3A_116 = arith.constant 1 : i32
        %mul3A_117 = arith.muli %scan3A_115, %mul3A_116 : i32
        %add3A_118 = arith.constant 0 : i32
        %add3A_119 = arith.addi %add3A_118, %mul3A_117 : i32
        %mul3A_120 = arith.constant 64 : i32
        %mul3A_121 = arith.muli %add3A_103, %mul3A_120 : i32
        %add3A_122 = arith.addi %mul3A_121, %add3A_119 : i32
        %mul3A_123 = arith.constant 16 : i32
        %mul3A_124 = arith.muli %add3A_122, %mul3A_123 : i32
        %get3A = arith.index_cast %mul3A_124 : i32 to index
        %get3A_125 = tpu.vector_load %arg9[%get3A] {strides = array<i32>} : memref<5248xf32, #tpu.memory_space<vmem>>, vector<16xf32>,
        %reduce_sum3A = arith.constant true
        %reduce_sum3A_126 = vector.broadcast %reduce_sum3A : i1 to vector<16xi1>
        %reduce_sum3A_127 = tpu.scan <sum>, %get3A_125 masked %reduce_sum3A_126 : vector<16xf32>, vector<16xi1> -> vector<16xf32>
        %reduce_sum3A_128 = vector.extract %reduce_sum3A_127[15] : f32 from vector<16xf32>
        %broadcast_in_dim3A_129 = vector.broadcast %reduce_sum3A_128 : f32 to vector<16xf32>
        %max3A = arith.constant 1.000000e+00 : f32
        %max3A_130 = vector.broadcast %max3A : f32 to vector<16xf32>
        %max3A_131 = arith.maximumf %broadcast_in_dim3A_129, %max3A_130 : vector<16xf32>
        %div3A_132 = arith.constant 1.000000e+00 : f32
        %div3A_133 = vector.broadcast %div3A_132 : f32 to vector<16xf32>
        %div3A_134 = arith.divf %div3A_133, %max3A_131 : vector<16xf32>
        %get3A_135 = arith.index_cast %add3A_119 : i32 to index
        %get3A_136 = arith.constant 0 : index
        %get3A_137 = tpu.vector_load %arg8[%get3A_135, %get3A_136] {strides = array<i32>} : memref<64x128xf32, #tpu.memory_space<vmem>>, vector<16xf32>,
        %mul3A_138 = arith.mulf %get3A_137, %div3A_134 : vector<16xf32>
        %swap3A = arith.index_cast %add3A_119 : i32 to index
        %swap3A_139 = arith.constant 0 : index
        %swap3A_140 = tpu.vector_load %arg8[%swap3A, %swap3A_139] {strides = array<i32>} : memref<64x128xf32, #tpu.memory_space<vmem>>, vector<16xf32>,
        tpu.vector_store %arg8[%swap3A, %swap3A_139], %mul3A_138 {strides = array<i32>} : memref<64x128xf32, #tpu.memory_space<vmem>>, vector<16xf32>,
        %get3A_141 = arith.index_cast %add3A_119 : i32 to index
        %get3A_142 = arith.constant 16 : index
        %get3A_143 = tpu.vector_load %arg8[%get3A_141, %get3A_142] {strides = array<i32>} : memref<64x128xf32, #tpu.memory_space<vmem>>, vector<16xf32>,
        %mul3A_144 = arith.mulf %get3A_143, %div3A_134 : vector<16xf32>
        %swap3A_145 = arith.index_cast %add3A_119 : i32 to index
        %swap3A_146 = arith.constant 16 : index
        %swap3A_147 = tpu.vector_load %arg8[%swap3A_145, %swap3A_146] {strides = array<i32>} : memref<64x128xf32, #tpu.memory_space<vmem>>, vector<16xf32>,
        tpu.vector_store %arg8[%swap3A_145, %swap3A_146], %mul3A_144 {strides = array<i32>} : memref<64x128xf32, #tpu.memory_space<vmem>>, vector<16xf32>,
        %get3A_148 = arith.index_cast %add3A_119 : i32 to index
        %get3A_149 = arith.constant 32 : index
        %get3A_150 = tpu.vector_load %arg8[%get3A_148, %get3A_149] {strides = array<i32>} : memref<64x128xf32, #tpu.memory_space<vmem>>, vector<16xf32>,
        %mul3A_151 = arith.mulf %get3A_150, %div3A_134 : vector<16xf32>
        %swap3A_152 = arith.index_cast %add3A_119 : i32 to index
        %swap3A_153 = arith.constant 32 : index
        %swap3A_154 = tpu.vector_load %arg8[%swap3A_152, %swap3A_153] {strides = array<i32>} : memref<64x128xf32, #tpu.memory_space<vmem>>, vector<16xf32>,
        tpu.vector_store %arg8[%swap3A_152, %swap3A_153], %mul3A_151 {strides = array<i32>} : memref<64x128xf32, #tpu.memory_space<vmem>>, vector<16xf32>,
        %get3A_155 = arith.index_cast %add3A_119 : i32 to index
        %get3A_156 = arith.constant 48 : index
        %get3A_157 = tpu.vector_load %arg8[%get3A_155, %get3A_156] {strides = array<i32>} : memref<64x128xf32, #tpu.memory_space<vmem>>, vector<16xf32>,
        %mul3A_158 = arith.mulf %get3A_157, %div3A_134 : vector<16xf32>
        %swap3A_159 = arith.index_cast %add3A_119 : i32 to index
        %swap3A_160 = arith.constant 48 : index
        %swap3A_161 = tpu.vector_load %arg8[%swap3A_159, %swap3A_160] {strides = array<i32>} : memref<64x128xf32, #tpu.memory_space<vmem>>, vector<16xf32>,
        tpu.vector_store %arg8[%swap3A_159, %swap3A_160], %mul3A_158 {strides = array<i32>} : memref<64x128xf32, #tpu.memory_space<vmem>>, vector<16xf32>,
        %get3A_162 = arith.index_cast %add3A_119 : i32 to index
        %get3A_163 = arith.constant 64 : index
        %get3A_164 = tpu.vector_load %arg8[%get3A_162, %get3A_163] {strides = array<i32>} : memref<64x128xf32, #tpu.memory_space<vmem>>, vector<16xf32>,
        %mul3A_165 = arith.mulf %get3A_164, %div3A_134 : vector<16xf32>
        %swap3A_166 = arith.index_cast %add3A_119 : i32 to index
        %swap3A_167 = arith.constant 64 : index
        %swap3A_168 = tpu.vector_load %arg8[%swap3A_166, %swap3A_167] {strides = array<i32>} : memref<64x128xf32, #tpu.memory_space<vmem>>, vector<16xf32>,
        tpu.vector_store %arg8[%swap3A_166, %swap3A_167], %mul3A_165 {strides = array<i32>} : memref<64x128xf32, #tpu.memory_space<vmem>>, vector<16xf32>,
        %get3A_169 = arith.index_cast %add3A_119 : i32 to index
        %get3A_170 = arith.constant 80 : index
        %get3A_171 = tpu.vector_load %arg8[%get3A_169, %get3A_170] {strides = array<i32>} : memref<64x128xf32, #tpu.memory_space<vmem>>, vector<16xf32>,
        %mul3A_172 = arith.mulf %get3A_171, %div3A_134 : vector<16xf32>
        %swap3A_173 = arith.index_cast %add3A_119 : i32 to index
        %swap3A_174 = arith.constant 80 : index
        %swap3A_175 = tpu.vector_load %arg8[%swap3A_173, %swap3A_174] {strides = array<i32>} : memref<64x128xf32, #tpu.memory_space<vmem>>, vector<16xf32>,
        tpu.vector_store %arg8[%swap3A_173, %swap3A_174], %mul3A_172 {strides = array<i32>} : memref<64x128xf32, #tpu.memory_space<vmem>>, vector<16xf32>,
        %get3A_176 = arith.index_cast %add3A_119 : i32 to index
        %get3A_177 = arith.constant 96 : index
        %get3A_178 = tpu.vector_load %arg8[%get3A_176, %get3A_177] {strides = array<i32>} : memref<64x128xf32, #tpu.memory_space<vmem>>, vector<16xf32>,
        %mul3A_179 = arith.mulf %get3A_178, %div3A_134 : vector<16xf32>
        %swap3A_180 = arith.index_cast %add3A_119 : i32 to index
        %swap3A_181 = arith.constant 96 : index
        %swap3A_182 = tpu.vector_load %arg8[%swap3A_180, %swap3A_181] {strides = array<i32>} : memref<64x128xf32, #tpu.memory_space<vmem>>, vector<16xf32>,
        tpu.vector_store %arg8[%swap3A_180, %swap3A_181], %mul3A_179 {strides = array<i32>} : memref<64x128xf32, #tpu.memory_space<vmem>>, vector<16xf32>,
        %get3A_183 = arith.index_cast %add3A_119 : i32 to index
        %get3A_184 = arith.constant 112 : index
        %get3A_185 = tpu.vector_load %arg8[%get3A_183, %get3A_184] {strides = array<i32>} : memref<64x128xf32, #tpu.memory_space<vmem>>, vector<16xf32>,
        %mul3A_186 = arith.mulf %get3A_185, %div3A_134 : vector<16xf32>
        %swap3A_187 = arith.index_cast %add3A_119 : i32 to index
        %swap3A_188 = arith.constant 112 : index
        %swap3A_189 = tpu.vector_load %arg8[%swap3A_187, %swap3A_188] {strides = array<i32>} : memref<64x128xf32, #tpu.memory_space<vmem>>, vector<16xf32>,
        tpu.vector_store %arg8[%swap3A_187, %swap3A_188], %mul3A_186 {strides = array<i32>} : memref<64x128xf32, #tpu.memory_space<vmem>>, vector<16xf32>,
      }
      %scan3A_111 = arith.constant 64 : i32
      %mul3A_112 = arith.constant 64 : i32
      %mul3A_113 = arith.muli %add3A_103, %mul3A_112 : i32
      %add3A_114 = arith.addi %mul3A_2, %mul3A_113 : i32
      "tpu.region"() ({
        %run_scoped3A = tpu.sem_alloc : memref<!tpu.dma_semaphore, #tpu.memory_space<semaphore_mem>>
        %dma_start3A = arith.constant 0 : i32
        %dma_start3A_115 = tpu.memref_slice %arg6[%add3A_114, %dma_start3A] : memref<10240x128xf32, #tpu.memory_space<hbm>> -> memref<64x128xf32, #tpu.memory_space<hbm>>
        %dma_start3A_116 = arith.constant 0 : i32
        %dma_start3A_117 = tpu.memref_slice %arg6[%add3A_114, %dma_start3A_116] : memref<10240x128xf32, #tpu.memory_space<hbm>> -> memref<64x128xf32, #tpu.memory_space<hbm>>
        tpu.enqueue_dma source(%arg8 : memref<64x128xf32, #tpu.memory_space<vmem>>) target(%dma_start3A_117 : memref<64x128xf32, #tpu.memory_space<hbm>>) target_semaphore(%run_scoped3A : memref<!tpu.dma_semaphore, #tpu.memory_space<semaphore_mem>>)
        %dma_wait3A = arith.constant 0 : i32
        %dma_wait3A_118 = tpu.memref_slice %arg6[%add3A_114, %dma_wait3A] : memref<10240x128xf32, #tpu.memory_space<hbm>> -> memref<64x128xf32, #tpu.memory_space<hbm>>
        %dma_wait3A_119 = arith.constant 0 : i32
        %dma_wait3A_120 = tpu.memref_slice %arg6[%add3A_114, %dma_wait3A_119] : memref<10240x128xf32, #tpu.memory_space<hbm>> -> memref<64x128xf32, #tpu.memory_space<hbm>>
        tpu.wait_dma2 semaphore(%run_scoped3A : memref<!tpu.dma_semaphore, #tpu.memory_space<semaphore_mem>>) src(%arg8 : memref<64x128xf32, #tpu.memory_space<vmem>>) dst(%dma_wait3A_120 : memref<64x128xf32, #tpu.memory_space<hbm>>)
        tpu.yield
      }) : () -> ()
    }
    %scan3A_98 = arith.constant 5 : i32
    return
  }
}

</mosaic_0001>

<sc_bundles>
// kernel: kernel.3.cloned.1.call-start
scs
__scs_entry_jumppad:
0x0: {  	(pc) =	sbr.rel $0x88, $3  }
0x1: {  	(tag) =	ssettag $0x0;
	lr =	simm.s32 $0x1  }
0x2: {  	[smem:$0x3F9E] =	sst lr;
	_ =	strace $0xD0000000  }
0x3: {  	_ = 	snop  }
0x4: {  	_ = 	snop  }
0x5: {  	_ = 	snop  }
0x6: {  	_ = 	snop  }
0x7: {  	_ = 	snop  }
__scs_overlays_trampoline_lowered:
0x8: {  	[smem:$0x3FAD] =	sst s0  }
0x9: {  	[smem:$0x3FAE] =	sst s1  }
0xa: {  	[smem:$0x3FAF] =	sst s2  }
0xb: {  	[smem:$0x3FB0] =	sst s3  }
0xc: {  	[smem:$0x3FB1] =	sst s4  }
0xd: {  	[smem:$0x3FB2] =	sst s5  }
0xe: {  	[smem:$0x3FB3] =	sst s6  }
0xf: {  	[smem:$0x3FB4] =	sst s7  }
0x10: {  	[smem:$0x3FB5] =	sst s8  }
0x11: {  	[smem:$0x3FB6] =	sst s9;
	s0 =	simm.s32 @!p0 $0x0  }
0x12: {  	s1 =	sld [smem:$0x3F9C];
	s0 =	simm.s32 @p0 $0x1  }
0x13: {  	[smem:$0x3FB7] =	sst s0;
	s0 =	simm.s32 @!p1 $0x0  }
0x14: {  	s2 =	sld [smem:$0x3F9B];
	s0 =	simm.s32 @p1 $0x1  }
0x15: {  	[smem:$0x3FB8] =	sst s0;
	s0 =	simm.s32 @!p2 $0x0  }
0x16: {  	s3 =	sld [smem:$0x3FDB];
	s0 =	simm.s32 @p2 $0x1  }
0x17: {  	s4 =	simm.s32 $0x1BF5;
	[smem:$0x3FBA] =	sst s0  }
0x18: {  	s0 =	sld [smem:$0x3F9D];
	_ =	swait.ge [sflag:s4], $0x0  }
0x19: {  	s7 =	sld [smem:$0x3F9E]  }
0x1a: {  	s8 =	sadd.s32 $0xFFFFE003, lr  }
0x1b: {  	s9 =	sadd.s32 $0xFFFFFEF7, lr;
	s5 =	simm.s32 $0xFFFFFFFF;
	p2 =	slt.u32 s8, $0xFFFFF086  }
0x1c: {  	p1 =	slt.u32 s9, $0xF7A;
	s5 =	simm.s32 @!p2 $0x0  }
0x1d: {  	s5 =	simm.s32 @p1 $0x1;
	p0 =	seq.s32 s7, s2  }
0x1e: {  	s7 =	smul.u32 @!p0 $0xF7A, s2;
	p2 =	seq.s32 @!p0 s5, $0x0  }
0x1f: {  	s9 =	smul.u32 $0xF7A, s1;
	s8 =	simm.s32 @!p0 $0x1BF5;
	p2 =	por !p2, p0  }
0x20: {  	[sflag:s8] =	ssyncset.s32 @!p0 $0xFFFFF086;
	s6 =	sadd.s32 @!p0 s3, s7;
	s7 =	simm.s32 @!p0 $0x108  }
0x21: {  	s3 =	sadd.s32 s3, s9;
	s6 =	sadd.s32 @!p0 $0x88, s6;
	s7 =	simm.s32 @p2 $0x1082  }
0x22: {  	[simem:s7], [sflag:s8] =	dma.local @!p0 [hbm:s6], $0xF7A  }
0x23: {  	s9 =	sor.u32 $0xD0000000, s2;
	s6 =	simm.s32 $0x108;
	_ =	swait.ge @!p0 [sflag:s8], $0x0  }
0x24: {  	s3 =	sadd.s32 $0x88, s3;
	s6 =	simm.s32 @!p1 $0x1082;
	[sflag:s4] =	ssyncset.s32 $0xFFFFF086  }
0x25: {  	[simem:s6], [sflag:s4] =	dma.local [hbm:s3], $0xF7A  }
0x26: {  	[smem:$0x3F9E] =	sst s1;
	(tag) =	ssettag s2;
	_ =	strace s9  }
0x27: {  	s1 =	sld [smem:$0x3FAE]  }
0x28: {  	s2 =	sld [smem:$0x3FAF]  }
0x29: {  	s4 =	sld [smem:$0x3FB1]  }
0x2a: {  	p0 =	seq.s32 s5, $0x0;
	s5 =	sld [smem:$0x3FB2]  }
0x2b: {  	s6 =	sld [smem:$0x3FB3]  }
0x2c: {  	s7 =	sld [smem:$0x3FB4]  }
0x2d: {  	s3 =	simm.s32 $0x108;
	s8 =	sld [smem:$0x3FB5]  }
0x2e: {  	s3 =	simm.s32 @!p0 $0x1082;
	s9 =	sld [smem:$0x3FB6]  }
0x2f: {  	lr =	sadd.s32 s0, s3;
	s0 =	sld [smem:$0x3FAD]  }
0x30: {  	s3 =	sld [smem:$0x3FB0]  }
0x31: {  	[smem:$0x3FB9] =	sst s10  }
0x32: {  	s10 =	sld [smem:$0x3FB7];
	_ =	sdelay $0x3  }
0x33: {  	p0 =	seq.s32 s10, $0x1;
	s10 =	sld [smem:$0x3FB9];
	_ =	sdelay $0x3  }
0x34: {  	[smem:$0x3FB9] =	sst s10  }
0x35: {  	s10 =	sld [smem:$0x3FB8];
	_ =	sdelay $0x3  }
0x36: {  	p1 =	seq.s32 s10, $0x1;
	s10 =	sld [smem:$0x3FB9];
	_ =	sdelay $0x3  }
0x37: {  	[smem:$0x3FB9] =	sst s10  }
0x38: {  	s10 =	sld [smem:$0x3FBA]  }
0x39: {  	_ = 	snop;
	(pc) =	sbr.ind lr, $3  }
0x3a: {  	_ = 	snop  }
0x3b: {  	_ = 	snop  }
0x3c: {  	p2 =	seq.s32 s10, $0x1;
	s10 =	sld [smem:$0x3FB9]  }
0x3d: {  	_ =	shalt  }
0x3e: {  	_ =	shalt  }
0x3f: {  	_ =	shalt  }
0x40: {  	_ =	shalt  }
0x41: {  	_ =	shalt  }
0x42: {  	_ =	shalt  }
0x43: {  	_ =	shalt  }
0x44: {  	_ =	shalt  }
0x45: {  	_ =	shalt  }
0x46: {  	_ =	shalt  }
0x47: {  	_ =	shalt  }
0x48: {  	_ =	shalt  }
0x49: {  	_ =	shalt  }
0x4a: {  	_ =	shalt  }
0x4b: {  	_ =	shalt  }
0x4c: {  	_ =	shalt  }
0x4d: {  	_ =	shalt  }
0x4e: {  	_ =	shalt  }
0x4f: {  	_ =	shalt  }
0x50: {  	_ =	shalt  }
0x51: {  	_ =	shalt  }
0x52: {  	_ =	shalt  }
0x53: {  	_ =	shalt  }
0x54: {  	_ =	shalt  }
0x55: {  	_ =	shalt  }
0x56: {  	_ =	shalt  }
0x57: {  	_ =	shalt  }
0x58: {  	_ =	shalt  }
0x59: {  	_ =	shalt  }
0x5a: {  	_ =	shalt  }
0x5b: {  	_ =	shalt  }
0x5c: {  	_ =	shalt  }
0x5d: {  	_ =	shalt  }
0x5e: {  	_ =	shalt  }
0x5f: {  	_ =	shalt  }
0x60: {  	_ =	shalt  }
0x61: {  	_ =	shalt  }
0x62: {  	_ =	shalt  }
0x63: {  	_ =	shalt  }
0x64: {  	_ =	shalt  }
0x65: {  	_ =	shalt  }
0x66: {  	_ =	shalt  }
0x67: {  	_ =	shalt  }
0x68: {  	_ =	shalt  }
0x69: {  	_ =	shalt  }
0x6a: {  	_ =	shalt  }
0x6b: {  	_ =	shalt  }
0x6c: {  	_ =	shalt  }
0x6d: {  	_ =	shalt  }
0x6e: {  	_ =	shalt  }
0x6f: {  	_ =	shalt  }
0x70: {  	_ =	shalt  }
0x71: {  	_ =	shalt  }
0x72: {  	_ =	shalt  }
0x73: {  	_ =	shalt  }
0x74: {  	_ =	shalt  }
0x75: {  	_ =	shalt  }
0x76: {  	_ =	shalt  }
0x77: {  	_ =	shalt  }
0x78: {  	_ =	shalt  }
0x79: {  	_ =	shalt  }
0x7a: {  	_ =	shalt  }
0x7b: {  	_ =	shalt  }
0x7c: {  	_ =	shalt  }
0x7d: {  	_ =	shalt  }
0x7e: {  	_ =	shalt  }
0x7f: {  	_ =	shalt  }
0x80: {  	_ =	shalt  }
0x81: {  	_ =	shalt  }
0x82: {  	_ =	shalt  }
0x83: {  	_ =	shalt  }
0x84: {  	_ =	shalt  }
0x85: {  	_ =	shalt  }
0x86: {  	_ =	shalt  }
0x87: {  	_ =	shalt  }
.Lfunc_end0:
.L_simem_size_0:
called_computation_lowered:
.L_overlay_start_0:
0x88: {  	s2 =	sld [smem:$0x3FD9]  }
0x89: {  	s3 =	sld [smem:$0x3FFE];
	_ =	sdelay $0x1  }
0x8a: {  	s1 =	srdreg.scid  }
0x8b: {  	s0 =	sand.u32 $0x1, s1  }
0x8c: {  	s17 =	sshll.u32 s0, $0xA;
	s2 =	sadd.s32 s3, s2  }
0x8d: {  	s2 =	sadd.s32 s2, s17  }
0x8e: {  	[smem:$0x3FC5] =	sst s2  }
0x8f: {  	_ = 	snop  }
0x90: {  	s2 =	sld [smem:$0x3FC9]  }
0x91: {  	s18 =	sld [smem:$0x3FC8]  }
0x92: {  	s4 =	sld [smem:$0x3FC7]  }
0x93: {  	s5 =	sld [smem:$0x3FD0];
	(tm) =	ssettm $0x1  }
0x94: {  	s6 =	sld [smem:$0x3FFB];
	_ =	sdelay $0x3  }
0x95: {  	_ =	strace s6  }
0x96: {  	s6 =	sld [smem:$0x3FFC];
	_ =	sdelay $0x3  }
0x97: {  	_ =	strace s6  }
0x98: {  	s6 =	sld [smem:$0x3FFD];
	_ =	sdelay $0x3  }
0x99: {  	_ =	strace s6  }
0x9a: {  	_ =	strace $0x8FFFFFFF  }
0x9b: {  	s19 =	sld [smem:$0x3FDB];
	_ =	sdelay $0x1  }
0x9c: {  	s7 =	simm.s32 $_scs_section_size  }
0x9d: {  	s8 =	simm.s32 $_size__tile_overlayer_lowered;
	s9 =	simm.s32 $_tile_overlayer_lowered  }
0x9e: {  	s22 =	simm.s32 $0x1BFF;
	s21 =	sshll.u32 s9, $0x1;
	s6 =	sadd.s32 s7, s19  }
0x9f: {  	s10 =	simm.s32 $0x0;
	s20 =	sshll.u32 s8, $0x1;
	s8 =	sadd.s32 s21, s6  }
0xa0: {  	[timem:s10], [sflag:s22] =	dma.local [hbm:s8], s20  }
0xa1: {  	_ =	swait.ge [sflag:s22], s20  }
0xa2: {  	s7 =	ssub.s32 $0x0, s20;
	[sflag:s22] =	ssyncset.done $0x0  }
0xa3: {  	[sflag:s22] =	ssyncadd.s32 s7;
	_ =	sdelay $0x1  }
0xa4: {  	s23 =	simm.s32 $0x1B8B  }
0xa5: {  	_ =	swait.ge [sflag:s23], $0x1  }
0xa6: {  	[sflag:s23] =	ssyncset.done $0x0  }
0xa7: {  	s25 =	simm.s32 $0x1B8E;
	s24 =	sld [smem:$0x3FFE];
	[sflag:s23] =	ssyncadd.s32 $0xFFFFFFFF  }
0xa8: {  	s26 =	simm.s32 $execute0_lowered;
	[smem:$0x3FD2] =	sst s25  }
0xa9: {  	s8 =	sshll.u32 s26, $0x1;
	_ =	strace $0x80000046;
	[dreg:$0x1] =	wrdreg $0xFFFFFFFF  }
0xaa: {  	s28 =	simm.s32 $_size_execute0_lowered;
	s6 =	sadd.s32 s6, s8;
	[dreg:$0x0] =	wrdreg $0x0  }
0xab: {  	s8 =	sshll.u32 s28, $0x1;
	[dreg:$0x2] =	wrdreg s6  }
0xac: {  	[dreg:$0x3] =	wrdreg s8  }
0xad: {  	[dreg:$0x4] =	wrdreg $0xC0  }
0xae: {  	_ =	task [dreg:s10], $0x5FFFF  }
0xaf: {  	[dreg:$0x1] =	wrdreg $0xFFFFFFFF  }
0xb0: {  	[dreg:$0x0] =	wrdreg $0x60  }
0xb1: {  	[dreg:$0x2] =	wrdreg s2  }
0xb2: {  	[dreg:$0x3] =	wrdreg s18  }
0xb3: {  	[dreg:$0x4] =	wrdreg s4  }
0xb4: {  	[dreg:$0x5] =	wrdreg s5  }
0xb5: {  	[dreg:$0x6] =	wrdreg s24  }
0xb6: {  	[dreg:$0x7] =	wrdreg $0x0  }
0xb7: {  	[dreg:$0x8] =	wrdreg $0x9  }
0xb8: {  	_ =	task.clear_ibuf [dreg:s10], $0x9FFFF;
	_ =	strace $0x90000046  }
0xb9: {  	s29 =	simm.s32 $0x9;
	_ =	strace $0x80000048  }
0xba: {  	_ =	swait.ge [sflag:s29], $0x1  }
0xbb: {  	[sflag:s29] =	ssyncadd.s32 $0xFFFFFFFF  }
0xbc: {  	_ =	strace $0x90000048  }
0xbd: {  	_ =	sfence  }
0xbe: {  	s30 =	sld [smem:$0x0];
	_ =	sdelay $0x2  }
0xbf: {  	s31 =	sshll.u32 s1, $0xD;
	s1 =	sshrl.u32 s1, $0x2  }
0xc0: {  	s3 =	sand.u32 $0x4000, s31;
	s1 =	sadd.s32 s1, s30  }
0xc1: {  	s0 =	sor.u32 s3, s0;
	s1 =	sshll.u32 s1, $0x11  }
0xc2: {  	s0 =	sor.u32 s1, s0  }
0xc3: {  	s0 =	sadd.s32 $0x8F2B, s0  }
0xc4: {  	[sflag:s0] =	ssyncadd.remote.s32 $0x1  }
0xc5: {  	_ =	sfence.sel $0xFFFF  }
0xc6: {  	[dreg:$0x0] =	wrdreg $0xFFFFFFFF;
	(pc) =	sbr.abs _section_cstart, $3  }
0xc7: {  	[dreg:$0x1] =	wrdreg $0xFFFFFFFF  }
0xc8: {  	_ =	task.clear_ibuf [dreg:s10], $0x2FFFF;
	_ =	strace $0x9FFFFFFF  }
0xc9: {  	(tm) =	ssettm $0x7FFFFFFF  }
tec
execute0_lowered:
.L_overlay_start_1:
0x0: {  	(tag) =	ssettag $0x1  }
0x1: {  	s1 =	rddreg [dreg:$0x0]  }
0x2: {  	s2 =	rddreg [dreg:$0x1]  }
0x3: {  	s3 =	rddreg [dreg:$0x2]  }
0x4: {  	s4 =	rddreg [dreg:$0x3]  }
0x5: {  	s8 =	rddreg [dreg:$0x4]  }
0x6: {  	s5 =	rddreg [dreg:$0x5]  }
0x7: {  	s0 =	rddreg [dreg:$0x6];
	s7 =	simm.s32 $0x0;
	s9 =	srdreg.scid  }
0x8: {  	s6 =	stileid.u32;
	s13 =	simm.s32 $0xD880;
	s14 =	simm.s32 $0x1  }
0x9: {  	s16 =	simm.s32 $0x11C80;
	s17 =	simm.s32 $0x11D00;
	s18 =	simm.s32 $0xC400  }
0xa: {  	s19 =	simm.s32 $0x80;
	s20 =	simm.s32 $0xDC80;
	s21 =	simm.s32 $0x11D80  }
0xb: {  	s22 =	simm.s32 $0xA400;
	s23 =	simm.s32 $0x0;
	s9 =	sand.u32 $0x1, s9  }
0xc: {  	[smem:$0x7FF] =	sst s7;
	s11 =	smul.u32 $0x29000, s6;
	s10 =	sshll.u32 s9, $0x4  }
0xd: {  	s12 =	ssub.s32 $0x2, s9;
	s15 =	sor.u32 s6, s10;
	s10 =	smul.u32 $0x148, s6  }
0xe: {  	v4 =	vimm.f32 $0.0e+00;
	s8 =	sadd.s32 $0x800, s8;
	s31 =	sshrl.u32 s12, $0x1;
	s9 =	smul.u32 $0x140, s15  }
0xf: {  	v5 =	vlaneseq.u32;
	v6 =	vimm.f32 $1.000000000e+00;
	_ =	strace $0x80000047;
	s11 =	sshrl.u32 s11, $0x2;
	s12 =	ssub.s32 s12, s31;
	v0 =	vmov s15  }
0x10: {  	s11 =	sadd.s32 s11, s5;
	s15 =	simm.s32 $0x11E00;
	s12 =	smax.u32 s12, $0x1;
	v1 =	vadd.s32 $0x1, v0;
	v3 =	vmov s10;
	v2 =	vmov s9  }
.LBB2_1:
0x11: {  	[tilespmem:$0xD880] =	vst v4  }
0x12: {  	[tilespmem:$0xD890] =	vst v4  }
0x13: {  	[tilespmem:$0xD8A0] =	vst v4  }
0x14: {  	[tilespmem:$0xD8B0] =	vst v4  }
0x15: {  	[tilespmem:$0xD8C0] =	vst v4  }
0x16: {  	[tilespmem:$0xD8D0] =	vst v4  }
0x17: {  	[tilespmem:$0xD8E0] =	vst v4  }
0x18: {  	[tilespmem:$0xD8F0] =	vst v4  }
0x19: {  	[tilespmem:$0xD900] =	vst v4  }
0x1a: {  	[tilespmem:$0xD910] =	vst v4  }
0x1b: {  	[tilespmem:$0xD920] =	vst v4  }
0x1c: {  	[tilespmem:$0xD930] =	vst v4  }
0x1d: {  	[tilespmem:$0xD940] =	vst v4  }
0x1e: {  	[tilespmem:$0xD950] =	vst v4  }
0x1f: {  	[tilespmem:$0xD960] =	vst v4  }
0x20: {  	[tilespmem:$0xD970] =	vst v4  }
0x21: {  	[tilespmem:$0xD980] =	vst v4  }
0x22: {  	[tilespmem:$0xD990] =	vst v4  }
0x23: {  	[tilespmem:$0xD9A0] =	vst v4  }
0x24: {  	[tilespmem:$0xD9B0] =	vst v4  }
0x25: {  	[tilespmem:$0xD9C0] =	vst v4  }
0x26: {  	[tilespmem:$0xD9D0] =	vst v4  }
0x27: {  	[tilespmem:$0xD9E0] =	vst v4  }
0x28: {  	[tilespmem:$0xD9F0] =	vst v4  }
0x29: {  	[tilespmem:$0xDA00] =	vst v4  }
0x2a: {  	[tilespmem:$0xDA10] =	vst v4  }
0x2b: {  	[tilespmem:$0xDA20] =	vst v4  }
0x2c: {  	[tilespmem:$0xDA30] =	vst v4  }
0x2d: {  	[tilespmem:$0xDA40] =	vst v4  }
0x2e: {  	[tilespmem:$0xDA50] =	vst v4  }
0x2f: {  	[tilespmem:$0xDA60] =	vst v4  }
0x30: {  	[tilespmem:$0xDA70] =	vst v4  }
0x31: {  	[tilespmem:$0xDA80] =	vst v4  }
0x32: {  	[tilespmem:$0xDA90] =	vst v4  }
0x33: {  	[tilespmem:$0xDAA0] =	vst v4  }
0x34: {  	[tilespmem:$0xDAB0] =	vst v4  }
0x35: {  	[tilespmem:$0xDAC0] =	vst v4  }
0x36: {  	[tilespmem:$0xDAD0] =	vst v4  }
0x37: {  	[tilespmem:$0xDAE0] =	vst v4  }
0x38: {  	[tilespmem:$0xDAF0] =	vst v4  }
0x39: {  	[tilespmem:$0xDB00] =	vst v4  }
0x3a: {  	[tilespmem:$0xDB10] =	vst v4  }
0x3b: {  	[tilespmem:$0xDB20] =	vst v4  }
0x3c: {  	[tilespmem:$0xDB30] =	vst v4  }
0x3d: {  	[tilespmem:$0xDB40] =	vst v4  }
0x3e: {  	[tilespmem:$0xDB50] =	vst v4  }
0x3f: {  	[tilespmem:$0xDB60] =	vst v4  }
0x40: {  	[tilespmem:$0xDB70] =	vst v4  }
0x41: {  	[tilespmem:$0xDB80] =	vst v4  }
0x42: {  	[tilespmem:$0xDB90] =	vst v4  }
0x43: {  	[tilespmem:$0xDBA0] =	vst v4  }
0x44: {  	[tilespmem:$0xDBB0] =	vst v4  }
0x45: {  	[tilespmem:$0xDBC0] =	vst v4  }
0x46: {  	[tilespmem:$0xDBD0] =	vst v4  }
0x47: {  	[tilespmem:$0xDBE0] =	vst v4  }
0x48: {  	[tilespmem:$0xDBF0] =	vst v4  }
0x49: {  	[tilespmem:$0xDC00] =	vst v4  }
0x4a: {  	[tilespmem:$0xDC10] =	vst v4  }
0x4b: {  	[tilespmem:$0xDC20] =	vst v4  }
0x4c: {  	[tilespmem:$0xDC30] =	vst v4  }
0x4d: {  	[tilespmem:$0xDC40] =	vst v4  }
0x4e: {  	[tilespmem:$0xDC50] =	vst v4  }
0x4f: {  	[tilespmem:$0xDC60] =	vst v4  }
0x50: {  	[tilespmem:$0xDC70] =	vst v4;
	s24 =	sadd.s32 $0x0, s11  }
0x51: {  	[spmem:s24] =	stream.linear.scatter [tilespmem:s13], [sflag:$0x1], $0x400, $0x38;
	[tilespmem:$0x11E80] =	vst v63  }
0x52: {  	s24 =	simm.s32 $0x1000;
	_ =	swait.ge [sflag:s14], $0x400  }
.LBB2_2:
0x53: {  	s25 =	sshra.s32 s24, $0x2;
	[sflag:s14] =	ssyncset.done $0x0;
	p0 =	sne.s32 s24, $0x28000  }
.Ltmp0:
0x54: {  	s25 =	sadd.s32 s25, s11;
	[sflag:s14] =	ssyncadd.s32 $0xFFFFFC00;
	(pc) =	sbr.rel @p0 .LBB2_2-.Ltmp0, $3  }
0x55: {  	[spmem:s25] =	stream.linear.scatter [tilespmem:s13], [sflag:$0x1], $0x400, $0x38;
	[tilespmem:$0x11E80] =	vst v63  }
0x56: {  	s24 =	sadd.s32 $0x1000, s24;
	_ =	sdelay $0x1  }
0x57: {  	_ =	swait.ge [sflag:s14], $0x400  }
0x58: {  	[sflag:s14] =	ssyncset.done $0x0  }
0x59: {  	s24 =	simm.s32 $0x40;
	s25 =	simm.s32 $0x0;
	[sflag:s14] =	ssyncadd.s32 $0xFFFFFC00  }
.LBB2_4:
0x5a: {  	p0 =	sne.s32 s24, $0x51C0;
	[tilespmem:s25+$0xC400] =	vst v4;
	s25 =	smov.u32 s24;
	s24 =	sadd.s32 $0x40, s24  }
.Ltmp1:
0x5b: {  	(pc) =	sbr.rel @p0 .LBB2_4-.Ltmp1, $2  }
0x5c: {  	_ =	sdelay $0x2  }
0x5d: {  	s25 =	sshra.s32 s25, $0x2  }
0x5e: {  	[tilespmem:s25+$0xC400] =	vst v4  }
0x5f: {  	[tilespmem:s15], [sflag:$0x1] =	stream.linear.gather [hbm4b:s4+s7], $0x80, $0x38;
	[tilespmem:$0x11E80] =	vst v63  }
0x60: {  	_ =	swait.ge [sflag:s14], $0x80  }
0x61: {  	[sflag:s14] =	ssyncset.done $0x0  }
0x62: {  	[sflag:s14] =	ssyncadd.s32 $0xFFFFFF80  }
0x63: {  	v7 =	vld.idx.msk [tilespmem:v0+s15+$0x0], $0xffff  }
0x64: {  	v8 =	vld.idx.msk [tilespmem:v1+s15+$0x0], $0xffff;
	_ =	sdelay $0x3  }
0x65: {  	v7 =	vxor.u32 $0x80000000, v7  }
0x66: {  	(xrf0) =	vmax.scan.msk.u32 $0xffff, v7;
	v7 =	vxor.u32 $0x80000000, v8  }
0x67: {  	(xrf0) =	vmax.scan.msk.u32 $0xffff, v7;
	_ =	sdelay $0x4  }
0x68: {  	v7, _, _ =	vpop (xrf0)  }
0x69: {  	(v2sf) =	vpush v7, $0xF;
	v7, _, _ =	vpop (xrf0)  }
0x6a: {  	(v2sf) =	vpush v7, $0xF;
	_ =	sdelay $0xd  }
0x6b: {  	s24 =	spop (v2sf)  }
0x6c: {  	s31 =	sxor.u32 $0x80000000, s24;
	s28 =	spop (v2sf);
	p1 =	sgt.s32 s24, $0xFFFFFFFF  }
0x6d: {  	s24 =	sand.u32 $0x7F, s24;
	s26 =	sshra.s32 s31, $0x1F;
	p0 =	slt.s32 s31, $0x1  }
0x6e: {  	s25 =	sadd.s32 $0x8000007F, s28;
	p5 =	sne.s32 s24, $0x0;
	s28 =	simm.s32 $0x1  }
0x6f: {  	s26 =	sshrl.u32 s26, $0x19;
	p0 =	por p1, p0;
	s29 =	sand.u32 $0x7F, s25  }
0x70: {  	p6 =	slt.s32 s25, $0x1;
	s26 =	sadd.s32 s26, s31;
	p2 =	sne.s32 s29, $0x0  }
0x71: {  	p0 =	por !p5, !p0;
	s31 =	sshra.s32 s25, $0x1F;
	p1 =	por !p6, !p2  }
0x72: {  	s30 =	sshra.s32 s26, $0x7;
	p0 =	por !p0, !p0;
	s26 =	sshrl.u32 s31, $0x19  }
0x73: {  	s25 =	sadd.s32 s26, s25;
	p1 =	por !p1, !p1;
	s26 =	simm.s32 $0x1  }
0x74: {  	s28 =	simm.s32 @!p0 $0x0;
	s25 =	sshra.s32 s25, $0x7;
	s26 =	simm.s32 @!p1 $0x0  }
0x75: {  	s24 =	ssub.s32 s30, s28;
	s25 =	ssub.s32 s25, s26  }
0x76: {  	p0 =	sge.s32 s24, s25  }
.Ltmp2:
0x77: {  	_ = 	snop;
	(pc) =	sbr.rel @p0 .LBB2_8-.Ltmp2, $1  }
0x78: {  	_ =	sdelay $0x3  }
0x79: {  	s26 =	sshll.u32 s24, $0x4  }
.LBB2_7:
0x7a: {  	s28 =	sand.u32 $0x1FFFFFF0, s26  }
0x7b: {  	s29 =	sadd.s32 s2, s28  }
0x7c: {  	[tilespmem:s16], [sflag:$0x1] =	stream.linear.gather [hbm4b:s29+s7], $0x80, $0x38;
	[tilespmem:$0x11E80] =	vst v63  }
0x7d: {  	_ =	swait.ge [sflag:s14], $0x80  }
0x7e: {  	[sflag:s14] =	ssyncset.done $0x0  }
0x7f: {  	s28 =	sadd.s32 s3, s28;
	[sflag:s14] =	ssyncadd.s32 $0xFFFFFF80  }
0x80: {  	[tilespmem:s17], [sflag:$0x1] =	stream.linear.gather [hbm4b:s28+s7], $0x80, $0x38;
	[tilespmem:$0x11E80] =	vst v63  }
0x81: {  	_ =	swait.ge [sflag:s14], $0x80  }
0x82: {  	[sflag:s14] =	ssyncset.done $0x0  }
0x83: {  	[sflag:s14] =	ssyncadd.s32 $0xFFFFFF80  }
0x84: {  	v7 =	vld [tilespmem:$0x11D00];
	_ =	sdelay $0x4  }
0x85: {  	v7 =	vsub.s32 v7, v2  }
0x86: {  	v7 =	vmin.u32 v7, $0x140  }
0x87: {  	v8 =	vshll.u32 v7, $0x4  }
0x88: {  	v8 =	vor.u32 v5, v8;
	_ =	sdelay $0x2  }
0x89: {  	v7 =	vadd.s32 v3, v7  }
0x8a: {  	[tilespmem:$0x11D80] =	vst v7  }
0x8b: {  	[tilespmem:v8+s18+$0x0] =	vst.idx.add.f32.msk $0xffff, v6  }
0x8c: {  	v7 =	vld [tilespmem:$0x11D10];
	_ =	sdelay $0x4  }
0x8d: {  	v7 =	vsub.s32 v7, v2  }
0x8e: {  	v7 =	vmin.u32 v7, $0x140  }
0x8f: {  	v8 =	vshll.u32 v7, $0x4  }
0x90: {  	v8 =	vor.u32 v5, v8;
	_ =	sdelay $0x2  }
0x91: {  	v7 =	vadd.s32 v3, v7  }
0x92: {  	[tilespmem:$0x11D90] =	vst v7  }
0x93: {  	[tilespmem:v8+s18+$0x0] =	vst.idx.add.f32.msk $0xffff, v6  }
0x94: {  	v7 =	vld [tilespmem:$0x11D20];
	_ =	sdelay $0x4  }
0x95: {  	v7 =	vsub.s32 v7, v2  }
0x96: {  	v7 =	vmin.u32 v7, $0x140  }
0x97: {  	v8 =	vshll.u32 v7, $0x4  }
0x98: {  	v8 =	vor.u32 v5, v8;
	_ =	sdelay $0x2  }
0x99: {  	v7 =	vadd.s32 v3, v7  }
0x9a: {  	[tilespmem:$0x11DA0] =	vst v7  }
0x9b: {  	[tilespmem:v8+s18+$0x0] =	vst.idx.add.f32.msk $0xffff, v6  }
0x9c: {  	v7 =	vld [tilespmem:$0x11D30];
	_ =	sdelay $0x4  }
0x9d: {  	v7 =	vsub.s32 v7, v2  }
0x9e: {  	v7 =	vmin.u32 v7, $0x140  }
0x9f: {  	v8 =	vshll.u32 v7, $0x4  }
0xa0: {  	v8 =	vor.u32 v5, v8;
	_ =	sdelay $0x2  }
0xa1: {  	v7 =	vadd.s32 v3, v7  }
0xa2: {  	[tilespmem:$0x11DB0] =	vst v7  }
0xa3: {  	[tilespmem:v8+s18+$0x0] =	vst.idx.add.f32.msk $0xffff, v6  }
0xa4: {  	v7 =	vld [tilespmem:$0x11D40];
	_ =	sdelay $0x4  }
0xa5: {  	v7 =	vsub.s32 v7, v2  }
0xa6: {  	v7 =	vmin.u32 v7, $0x140  }
0xa7: {  	v8 =	vshll.u32 v7, $0x4  }
0xa8: {  	v8 =	vor.u32 v5, v8;
	_ =	sdelay $0x2  }
0xa9: {  	v7 =	vadd.s32 v3, v7  }
0xaa: {  	[tilespmem:$0x11DC0] =	vst v7  }
0xab: {  	[tilespmem:v8+s18+$0x0] =	vst.idx.add.f32.msk $0xffff, v6  }
0xac: {  	v7 =	vld [tilespmem:$0x11D50];
	_ =	sdelay $0x4  }
0xad: {  	v7 =	vsub.s32 v7, v2  }
0xae: {  	v7 =	vmin.u32 v7, $0x140  }
0xaf: {  	v8 =	vshll.u32 v7, $0x4  }
0xb0: {  	v8 =	vor.u32 v5, v8;
	_ =	sdelay $0x2  }
0xb1: {  	v7 =	vadd.s32 v3, v7  }
0xb2: {  	[tilespmem:$0x11DD0] =	vst v7  }
0xb3: {  	[tilespmem:v8+s18+$0x0] =	vst.idx.add.f32.msk $0xffff, v6  }
0xb4: {  	v7 =	vld [tilespmem:$0x11D60];
	_ =	sdelay $0x4  }
0xb5: {  	v7 =	vsub.s32 v7, v2  }
0xb6: {  	v7 =	vmin.u32 v7, $0x140  }
0xb7: {  	v8 =	vshll.u32 v7, $0x4  }
0xb8: {  	v8 =	vor.u32 v5, v8;
	_ =	sdelay $0x2  }
0xb9: {  	v7 =	vadd.s32 v3, v7  }
0xba: {  	[tilespmem:$0x11DE0] =	vst v7  }
0xbb: {  	[tilespmem:v8+s18+$0x0] =	vst.idx.add.f32.msk $0xffff, v6  }
0xbc: {  	v7 =	vld [tilespmem:$0x11D70];
	_ =	sdelay $0x4  }
0xbd: {  	v7 =	vsub.s32 v7, v2  }
0xbe: {  	v7 =	vmin.u32 v7, $0x140  }
0xbf: {  	v8 =	vshll.u32 v7, $0x4  }
0xc0: {  	v8 =	vor.u32 v5, v8;
	_ =	sdelay $0x2  }
0xc1: {  	v7 =	vadd.s32 v3, v7  }
0xc2: {  	[tilespmem:$0x11DF0] =	vst v7  }
0xc3: {  	[tilespmem:v8+s18+$0x0] =	vst.idx.add.f32.msk $0xffff, v6  }
0xc4: {  	[tilespmem:s20], [sflag:$0x1] =	stream.indirect.gather [hbm4b:s1+s19], $0x80, s16, s19, $0xb8;
	[tilespmem:$0x11E80] =	vst v63  }
0xc5: {  	s24 =	sadd.s32 $0x1, s24;
	_ =	swait.ge [sflag:s14], $0x4000  }
0xc6: {  	p0 =	slt.s32 s24, s25;
	[sflag:s14] =	ssyncset.done $0x0  }
.Ltmp3:
0xc7: {  	[sflag:s14] =	ssyncadd.s32 $0xFFFFC000;
	(pc) =	sbr.rel @p0 .LBB2_7-.Ltmp3, $4  }
0xc8: {  	[spmem:s5] =	stream.indirect.scatter.add.f32 [tilespmem:s20], [sflag:$0x1], $0x80, s21, s19, $0xb8;
	[tilespmem:$0x11E80] =	vst v63  }
0xc9: {  	_ =	swait.ge [sflag:s14], $0x4000  }
0xca: {  	[sflag:s14] =	ssyncset.done $0x0  }
0xcb: {  	s26 =	sadd.s32 $0x10, s26;
	[sflag:s14] =	ssyncadd.s32 $0xFFFFC000  }
.LBB2_8:
0xcc: {  	s24 =	simm.s32 $0x0;
	s25 =	simm.s32 $0xC400  }
.LBB2_9:
0xcd: {  	s26 =	sshll.u32 s24, $0x6  }
0xce: {  	s28 =	sadd.s32 s10, s26  }
0xcf: {  	s28 =	sshll.u32 s28, $0x7  }
0xd0: {  	s28 =	sand.u32 $0x3FFFFF80, s28  }
0xd1: {  	v7 =	vmov s25;
	s28 =	sadd.s32 s28, s5  }
0xd2: {  	[tilespmem:s22], [sflag:$0x1] =	stream.linear.gather [spmem:s28], $0x2000, $0x38;
	[tilespmem:$0x11E80] =	vst v63  }
0xd3: {  	_ =	swait.ge [sflag:s14], $0x2000  }
0xd4: {  	[sflag:s14] =	ssyncset.done $0x0  }
0xd5: {  	s28 =	simm.s32 $0x0;
	[sflag:s14] =	ssyncadd.s32 $0xFFFFE000  }
0xd6: {  	v8 =	vld.idx.msk [tilespmem:v7+s28+$0x0 ss:$0x1], $0xffff;
	_ =	sdelay $0x4  }
0xd7: {  	(xrf2) =	vadd.scan.msk.f32 $0xffff, v8;
	_ =	sdelay $0x9  }
0xd8: {  	v8, _, _ =	vpop (xrf2)  }
0xd9: {  	v8 =	vmax.f32 v8, $1.000000000e+00  }
0xda: {  	v8 =	vbroadcast v8, $0xF;
	_ =	sdelay $0x1  }
0xdb: {  	(erf) = vrcp.f32 v8;
	_ =	sdelay $0x3  }
0xdc: {  	s28 =	simm.s32 $0xA440  }
0xdd: {  	v8 =	vld [tilespmem:s28+$0xFFFFFFC0]  }
0xde: {  	v9 =	vld [tilespmem:s28+$0xFFFFFFD0]  }
0xdf: {  	v10 =	vld [tilespmem:s28+$0xFFFFFFE0]  }
0xe0: {  	v12 =	vld [tilespmem:s28+$0x0]  }
0xe1: {  	v14 =	vld [tilespmem:s28+$0x10];
	v13 =	vpop (erf)  }
0xe2: {  	v11 =	vld [tilespmem:s28+$0xFFFFFFF0];
	v8 =	vmul.f32 v13, v8  }
0xe3: {  	v16 =	vld [tilespmem:s28+$0x30];
	v9 =	vmul.f32 v13, v9  }
0xe4: {  	v15 =	vld [tilespmem:s28+$0x20];
	v10 =	vmul.f32 v13, v10;
	[tilespmem:s28+$0xFFFFFFC0] =	vst v8  }
0xe5: {  	v61 =	vmul.f32 v12, v13;
	[tilespmem:s28+$0xFFFFFFD0] =	vst v9  }
0xe6: {  	v62 =	vmul.f32 v14, v13;
	[tilespmem:s28+$0xFFFFFFE0] =	vst v10  }
0xe7: {  	v8 =	vmul.f32 v11, v13;
	[tilespmem:s28+$0x0] =	vst v61  }
0xe8: {  	v63 =	vmul.f32 v16, v13;
	[tilespmem:s28+$0x10] =	vst v62  }
0xe9: {  	[tilespmem:s28+$0xFFFFFFF0] =	vst v8;
	v8 =	vmul.f32 v15, v13  }
0xea: {  	[tilespmem:s28+$0x30] =	vst v63  }
0xeb: {  	s30 =	simm.s32 $0x10;
	s29 =	simm.s32 $0x80;
	[tilespmem:s28+$0x20] =	vst v8  }
.LBB2_10:
0xec: {  	p0 =	sne.s32 s29, $0xFC0;
	v8 =	vld.idx.msk [tilespmem:v7+s30+$0x0 ss:$0x1], $0xffff;
	_ =	sdelay $0x5  }
0xed: {  	(xrf2) =	vadd.scan.msk.f32 $0xffff, v8;
	_ =	sdelay $0x9  }
0xee: {  	v8, _, _ =	vpop (xrf2)  }
0xef: {  	v8 =	vmax.f32 v8, $1.000000000e+00  }
0xf0: {  	v8 =	vbroadcast v8, $0xF;
	_ =	sdelay $0x1  }
0xf1: {  	s28 =	sadd.s32 $0x80, s28;
	(erf) = vrcp.f32 v8  }
0xf2: {  	v8 =	vld [tilespmem:s28+$0xFFFFFFF0]  }
0xf3: {  	v9 =	vld [tilespmem:s28+$0x30]  }
0xf4: {  	v10 =	vld [tilespmem:s28+$0x10]  }
0xf5: {  	v11 =	vld [tilespmem:s28+$0xFFFFFFD0]  }
0xf6: {  	v12 =	vld [tilespmem:s28+$0xFFFFFFC0]  }
0xf7: {  	v13 =	vld [tilespmem:s28+$0xFFFFFFE0]  }
0xf8: {  	v14 =	vld [tilespmem:s28+$0x0]  }
0xf9: {  	v15 =	vld [tilespmem:s28+$0x20]  }
0xfa: {  	v16 =	vpop (erf)  }
0xfb: {  	v12 =	vmul.f32 v16, v12;
	v11 =	vmul.f32 v16, v11  }
0xfc: {  	v8 =	vmul.f32 v8, v16;
	v13 =	vmul.f32 v16, v13  }
0xfd: {  	v10 =	vmul.f32 v10, v16;
	[tilespmem:s28+$0xFFFFFFC0] =	vst v12;
	v12 =	vmul.f32 v14, v16  }
0xfe: {  	v9 =	vmul.f32 v9, v16;
	[tilespmem:s28+$0xFFFFFFD0] =	vst v11;
	v11 =	vmul.f32 v15, v16  }
0xff: {  	[tilespmem:s28+$0xFFFFFFE0] =	vst v13  }
.Ltmp4:
0x100: {  	[tilespmem:s28+$0xFFFFFFF0] =	vst v8;
	(pc) =	sbr.rel @p0 .LBB2_10-.Ltmp4, $4  }
0x101: {  	[tilespmem:s28+$0x0] =	vst v12  }
0x102: {  	[tilespmem:s28+$0x10] =	vst v10  }
0x103: {  	[tilespmem:s28+$0x20] =	vst v11  }
0x104: {  	s30 =	sshra.s32 s29, $0x2;
	s29 =	sadd.s32 $0x40, s29;
	[tilespmem:s28+$0x30] =	vst v9  }
0x105: {  	_ =	sdelay $0x3  }
0x106: {  	v7 =	vld.idx.msk [tilespmem:v7+s30+$0x0 ss:$0x1], $0xffff;
	_ =	sdelay $0x4  }
0x107: {  	(xrf2) =	vadd.scan.msk.f32 $0xffff, v7;
	_ =	sdelay $0x9  }
0x108: {  	v7, _, _ =	vpop (xrf2)  }
0x109: {  	v7 =	vmax.f32 v7, $1.000000000e+00  }
0x10a: {  	v7 =	vbroadcast v7, $0xF;
	_ =	sdelay $0x1  }
0x10b: {  	(erf) = vrcp.f32 v7;
	_ =	sdelay $0x3  }
0x10c: {  	s28 =	sadd.s32 $0x80, s28  }
0x10d: {  	v7 =	vld [tilespmem:s28+$0xFFFFFFC0]  }
0x10e: {  	v8 =	vld [tilespmem:s28+$0xFFFFFFD0]  }
0x10f: {  	v9 =	vld [tilespmem:s28+$0xFFFFFFE0]  }
0x110: {  	v13 =	vld [tilespmem:s28+$0x10]  }
0x111: {  	v10 =	vld [tilespmem:s28+$0xFFFFFFF0];
	v12 =	vpop (erf)  }
0x112: {  	v11 =	vld [tilespmem:s28+$0x0];
	v7 =	vmul.f32 v12, v7  }
0x113: {  	v14 =	vld [tilespmem:s28+$0x20];
	v8 =	vmul.f32 v12, v8  }
0x114: {  	v15 =	vld [tilespmem:s28+$0x30];
	v9 =	vmul.f32 v12, v9;
	[tilespmem:s28+$0xFFFFFFC0] =	vst v7  }
0x115: {  	v63 =	vmul.f32 v13, v12;
	[tilespmem:s28+$0xFFFFFFD0] =	vst v8  }
0x116: {  	v7 =	vmul.f32 v10, v12;
	[tilespmem:s28+$0xFFFFFFE0] =	vst v9  }
0x117: {  	v8 =	vmul.f32 v11, v12;
	[tilespmem:s28+$0x10] =	vst v63  }
0x118: {  	[tilespmem:s28+$0xFFFFFFF0] =	vst v7;
	v7 =	vmul.f32 v14, v12  }
0x119: {  	s26 =	sadd.s32 s9, s26;
	s24 =	sadd.s32 $0x1, s24;
	[tilespmem:s28+$0x0] =	vst v8;
	v8 =	vmul.f32 v15, v12  }
0x11a: {  	s26 =	sshll.u32 s26, $0x4;
	p0 =	sne.s32 s24, $0x5;
	[tilespmem:s28+$0x20] =	vst v7  }
.Ltmp5:
0x11b: {  	s26 =	sadd.s32 s8, s26;
	[tilespmem:s28+$0x30] =	vst v8;
	(pc) =	sbr.rel @p0 .LBB2_9-.Ltmp5, $4  }
0x11c: {  	[hbm4b:s26+s7] =	stream.linear.scatter [tilespmem:s22], [sflag:$0x1], $0x2000, $0x38;
	[tilespmem:$0x11E80] =	vst v63  }
0x11d: {  	_ =	swait.ge [sflag:s14], $0x2000  }
0x11e: {  	[sflag:s14] =	ssyncset.done $0x0  }
0x11f: {  	s25 =	sadd.s32 $0x400, s25;
	[sflag:s14] =	ssyncadd.s32 $0xFFFFE000  }
0x120: {  	s23 =	sadd.s32 $0x1, s23  }
0x121: {  	p0 =	sne.s32 s23, s12  }
.Ltmp6:
0x122: {  	_ = 	snop;
	(pc) =	sbr.rel @p0 .LBB2_1-.Ltmp6, $1  }
0x123: {  	_ =	sdelay $0x3  }
0x124: {  	_ =	sfence.sel $0x180000  }
0x125: {  	[bflag:$0x0] =	sbarrier.arrive $0xFFFF  }
0x126: {  	p0 =	sne.s32 s6, $0x0;
	_ =	strace $0x90000047  }
0x127: {  	s0 =	sadd.s32 @!p0 $0x100000, s0;
	[bflag:$0x2] =	sbarrier.arrive $0xFFFF  }
0x128: {  	[sflag:s0] =	ssyncadd.tile.s32 @!p0 $0x1;
	_ =	shalt  }
.Lfunc_end2:
_tile_overlayer_lowered:
.L_overlay_start_2:
0x129: {  	(tag) =	ssettag $0x2  }
0x12a: {  	s0 =	rddreg [dreg:$0x0];
	s2 =	stileid.u32  }
0x12b: {  	s1 =	rddreg [dreg:$0x1];
	p0 =	sne.s32 s2, $0x0  }
0x12c: {  	s3 =	rddreg [dreg:$0x2];
	[bflag:$0x3] =	sbarrier.arrive $0xFFFF;
	s2 =	simm.s32 @!p0 $0x1C01  }
0x12d: {  	[timem:s3], [sflag:s2] =	dma.local @!p0 [hbm:s0], s1  }
0x12e: {  	s0 =	simm.s32 @!p0 $0x1  }
0x12f: {  	_ =	swait.ge @!p0 [sflag:s0], s1  }
0x130: {  	s1 =	ssub.s32 @!p0 $0x0, s1;
	[sflag:s0] =	ssyncset.done @!p0 $0x0  }
0x131: {  	[sflag:s0] =	ssyncadd.s32 @!p0 s1  }
0x132: {  	[bflag:$0x3] =	sbarrier.arrive $0xFFFF  }
0x133: {  	_ =	shalt  }

</sc_bundles>
